<compile_context>
chip_gen: v7x
topology: tpu7x:2x2x1
jax: 0.10.2.dev20260603
libtpu: 0.0.44.dev20260713+nightly
codegen_flags: <defaults>
</compile_context>

<pallas_src>
import functools

import jax
import jax.numpy as jnp
from jax.experimental import pallas as pl
from jax.experimental.pallas import tpu as pltpu
from jax.experimental.pallas import tpu_sc as plsc

_HID = 128
_ROWS = 1024
_GATHER_WINDOW = 64
_WINDOWS_PER_STEP = 4
_NSUB = 16


def _project_body(table_ref, w_ref, p_ref):
    nrows = table_ref.shape[0]
    p_ref[:nrows, :] = jnp.dot(table_ref[...], w_ref[...],
                               preferred_element_type=jnp.float32)


def _project(table, W):
    return pl.pallas_call(
        _project_body,
        out_shape=jax.ShapeDtypeStruct((_ROWS, W.shape[1]), jnp.float32),
    )(table, W)


def _gather(p, idx):
    n = idx.shape[0]
    w, k_w = _GATHER_WINDOW, _WINDOWS_PER_STEP
    idx2 = idx.reshape(n // w, w)
    mesh = plsc.VectorSubcoreMesh(core_axis_name="c", subcore_axis_name="s")
    rows_per_sub = _ROWS // _NSUB

    @functools.partial(
        pl.kernel,
        out_type=jax.ShapeDtypeStruct((n, _HID), jnp.float32),
        mesh=mesh,
        scratch_types=[pltpu.VMEM_SHARED((_ROWS, _HID), jnp.float32)]
        + [pltpu.SemaphoreType.DMA] * k_w,
    )
    def k(p_hbm, i_hbm, o_hbm, p_shared, *sems):
        sid = jax.lax.axis_index("s")
        sl = pl.ds(sid * rows_per_sub, rows_per_sub)
        pltpu.sync_copy(p_hbm.at[sl], p_shared.at[sl])
        plsc.subcore_barrier()

        def body(i_vmem, o_vmem):
            copies = [
                pltpu.async_copy(p_shared.at[i_vmem.at[j]],
                                 o_vmem.at[pl.ds(j * w, w)], sems[j])
                for j in range(k_w)
            ]
            for c in copies:
                c.wait()

        pltpu.emit_pipeline(
            body,
            grid=(n // (w * k_w),),
            in_specs=[pl.BlockSpec((k_w, w), lambda i: (i, 0))],
            out_specs=[pl.BlockSpec((k_w * w, _HID), lambda i: (i, 0))],
            core_axis_name=("c", "s"),
            dimension_semantics=(pltpu.PARALLEL,),
        )(i_hbm, o_hbm)

    return k(p, idx2)


def kernel(X, table, W):
    flat = X.reshape(-1).astype(jnp.int32)
    p = _project(table, W)
    return _gather(p, flat)

# --- scband reference (transcript-rebuilt; emitter-appended) ---
"""Pipeline reference for scband-char-embeddings-56513179681388 (READ-ONLY COPY).

The authoritative reference and input builder live on the scoring server;
editing this copy changes nothing except your own understanding.
"""

import jax, jax.numpy as jnp
import numpy as np

CHAR_SIZE = 1000
EMBED_SIZE = 30
HIDDEN_SIZE = 128

def setup_inputs(seed: int = 0) -> dict:
    key = jax.random.key(seed)
    k1, k2, k3 = jax.random.split(key, 3)
    X = jax.random.randint(k1, (4096, 200), 0, CHAR_SIZE, dtype=jnp.int64 if jax.config.jax_enable_x64 else jnp.int32)
    table = jax.random.normal(k2, (CHAR_SIZE, EMBED_SIZE), dtype=jnp.float32)
    # torch nn.Linear(embed_size, hidden_size, bias=False) weight has shape [hidden, embed];
    # we store it transposed as [embed, hidden] for y = x @ W
    W = jax.random.normal(k3, (EMBED_SIZE, HIDDEN_SIZE), dtype=jnp.float32) * (1.0 / np.sqrt(EMBED_SIZE))
    return {"X": X, "table": table, "W": W}

def reference(X, table, W):
    # char_embeddings lookup: gather rows of the embedding table
    emb = jnp.take(table, X, axis=0)              # [B, L, 30]
    flat = emb.reshape(-1, EMBED_SIZE)            # view(-1, embed_size)
    out = flat @ W                                # Linear(embed_size, hidden_size, bias=False)
    return out

if __name__ == "__main__":
    import jax
    _d = setup_inputs()
    print(jax.jit(kernel)(*tuple(_d.values())))

</pallas_src>

<mosaic_0001>
#map = affine_map<(d0, d1) -> (0, 0)>
module attributes {stable_mosaic.version = 14 : i64} {
  func.func @k(%arg0: i32, %arg1: i32, %arg2: memref<1024x128xf32, #tpu.memory_space<hbm>>, %arg3: memref<12800x64xi32, #tpu.memory_space<hbm>>, %arg4: memref<819200x128xf32, #tpu.memory_space<hbm>>, %arg5: memref<1024x128xf32, #tpu.memory_space<vmem_shared>>, %arg6: memref<!tpu.dma_semaphore, #tpu.memory_space<semaphore_mem>>, %arg7: memref<!tpu.dma_semaphore, #tpu.memory_space<semaphore_mem>>, %arg8: memref<!tpu.dma_semaphore, #tpu.memory_space<semaphore_mem>>, %arg9: memref<!tpu.dma_semaphore, #tpu.memory_space<semaphore_mem>>) attributes {dimension_semantics = [#tpu.dimension_semantics<core_parallel>, #tpu.dimension_semantics<subcore_parallel>], iteration_bounds = array<i64: 2, 16>, scalar_prefetch = 0 : i64, scratch_operands = 5 : i64, tpu.core_type = #tpu.core_type<sc_vector_subcore>, window_params = [{transform_indices = #map}, {transform_indices = #map}, {transform_indices = #map}]} {
    %mul3A = arith.constant 64 : i32
    %mul3A_0 = arith.muli %arg1, %mul3A : i32
    "tpu.region"() ({
      %run_scoped3A = tpu.sem_alloc : memref<!tpu.dma_semaphore, #tpu.memory_space<semaphore_mem>>
      %dma_start3A = arith.constant 0 : i32
      %dma_start3A_9 = tpu.memref_slice %arg5[%mul3A_0, %dma_start3A] : memref<1024x128xf32, #tpu.memory_space<vmem_shared>> -> memref<64x128xf32, #tpu.memory_space<vmem_shared>>
      %dma_start3A_10 = arith.constant 0 : i32
      %dma_start3A_11 = tpu.memref_slice %arg2[%mul3A_0, %dma_start3A_10] : memref<1024x128xf32, #tpu.memory_space<hbm>> -> memref<64x128xf32, #tpu.memory_space<hbm>>
      tpu.enqueue_dma source(%dma_start3A_11 : memref<64x128xf32, #tpu.memory_space<hbm>>) target(%dma_start3A_9 : memref<64x128xf32, #tpu.memory_space<vmem_shared>>) target_semaphore(%run_scoped3A : memref<!tpu.dma_semaphore, #tpu.memory_space<semaphore_mem>>)
      %dma_wait3A = arith.constant 0 : i32
      %dma_wait3A_12 = tpu.memref_slice %arg5[%mul3A_0, %dma_wait3A] : memref<1024x128xf32, #tpu.memory_space<vmem_shared>> -> memref<64x128xf32, #tpu.memory_space<vmem_shared>>
      %dma_wait3A_13 = arith.constant 0 : i32
      %dma_wait3A_14 = tpu.memref_slice %arg2[%mul3A_0, %dma_wait3A_13] : memref<1024x128xf32, #tpu.memory_space<hbm>> -> memref<64x128xf32, #tpu.memory_space<hbm>>
      tpu.wait_dma2 semaphore(%run_scoped3A : memref<!tpu.dma_semaphore, #tpu.memory_space<semaphore_mem>>) src(%dma_wait3A_14 : memref<64x128xf32, #tpu.memory_space<hbm>>) dst(%dma_wait3A_12 : memref<64x128xf32, #tpu.memory_space<vmem_shared>>)
      tpu.yield
    }) : () -> ()
    %barrier3A = arith.constant 0 : index
    tpu.barrier barrier_id(%barrier3A)
    %mul3A_1 = arith.constant 1 : i32
    %mul3A_2 = arith.muli %arg1, %mul3A_1 : i32
    %add3A = arith.constant 0 : i32
    %add3A_3 = arith.addi %add3A, %mul3A_2 : i32
    %mul3A_4 = arith.constant 16 : i32
    %mul3A_5 = arith.muli %arg0, %mul3A_4 : i32
    %add3A_6 = arith.addi %add3A_3, %mul3A_5 : i32
    %mul3A_7 = arith.constant 100 : i32
    %mul3A_8 = arith.muli %add3A_6, %mul3A_7 : i32
    "tpu.region"() ({
      %run_scoped3A = memref.alloca() : memref<2x4x64xi32, #tpu.memory_space<vmem>>
      %run_scoped3A_9 = tpu.sem_alloc : memref<2x!tpu.dma_semaphore, #tpu.memory_space<semaphore_mem>>
      %run_scoped3A_10 = memref.alloca() : memref<2x256x128xf32, #tpu.memory_space<vmem>>
      %run_scoped3A_11 = tpu.sem_alloc : memref<2x!tpu.dma_semaphore, #tpu.memory_space<semaphore_mem>>
      %add3A_12 = arith.constant 0 : i32
      %add3A_13 = arith.addi %add3A_12, %mul3A_8 : i32
      %select_n3A = arith.constant true
      %select_n3A_14 = arith.constant 0 : i32
      %select_n3A_15 = arith.constant -1 : i32
      %select_n3A_16 = arith.select %select_n3A, %select_n3A_15, %select_n3A_14 : i32
      %eq3A = arith.constant -1 : i32
      %eq3A_17 = arith.cmpi eq, %select_n3A_16, %eq3A : i32
      %select_n3A_18 = arith.constant 99 : i32
      %select_n3A_19 = arith.select %eq3A_17, %select_n3A_18, %select_n3A_16 : i32
      %add3A_20 = arith.addi %select_n3A_19, %mul3A_8 : i32
      %select_n3A_21 = arith.constant true
      %select_n3A_22 = arith.constant 0 : i32
      %select_n3A_23 = arith.constant 1 : i32
      %select_n3A_24 = arith.select %select_n3A_21, %select_n3A_23, %select_n3A_22 : i32
      %eq3A_25 = arith.constant 100 : i32
      %eq3A_26 = arith.cmpi eq, %select_n3A_24, %eq3A_25 : i32
      %select_n3A_27 = arith.constant 0 : i32
      %select_n3A_28 = arith.select %eq3A_26, %select_n3A_27, %select_n3A_24 : i32
      %add3A_29 = arith.addi %select_n3A_28, %mul3A_8 : i32
      %add3A_30 = arith.constant 1 : i32
      %add3A_31 = arith.addi %select_n3A_28, %add3A_30 : i32
      %select_n3A_32 = arith.constant true
      %select_n3A_33 = arith.select %select_n3A_32, %add3A_31, %select_n3A_28 : i32
      %eq3A_34 = arith.constant 100 : i32
      %eq3A_35 = arith.cmpi eq, %select_n3A_33, %eq3A_34 : i32
      %select_n3A_36 = arith.constant 0 : i32
      %select_n3A_37 = arith.select %eq3A_35, %select_n3A_36, %select_n3A_33 : i32
      %add3A_38 = arith.addi %select_n3A_37, %mul3A_8 : i32
      "tpu.trace_start"() <{level = 10 : i32, message = "ep_initialize_0"}> : () -> ()
      %rem3A = arith.constant 0 : i32
      %rem3A_39 = arith.constant 2 : i32
      %rem3A_40 = arith.remui %rem3A, %rem3A_39 : i32
      %mul3A_41 = arith.constant 4 : i32
      %mul3A_42 = arith.muli %mul3A_41, %add3A_13 : i32
      %dma_start3A = arith.constant 0 : i32
      %dma_start3A_43 = arith.constant 0 : i32
      %dma_start3A_44 = tpu.memref_slice %run_scoped3A[%rem3A_40, %dma_start3A, %dma_start3A_43] : memref<2x4x64xi32, #tpu.memory_space<vmem>> -> memref<1x4x64xi32, #tpu.memory_space<vmem>>
      %dma_start3A_45 = tpu.memref_squeeze %dma_start3A_44 : memref<1x4x64xi32, #tpu.memory_space<vmem>> -> memref<4x64xi32, #tpu.memory_space<vmem>>
      %dma_start3A_46 = arith.constant 0 : i32
      %dma_start3A_47 = tpu.memref_slice %arg3[%mul3A_42, %dma_start3A_46] : memref<12800x64xi32, #tpu.memory_space<hbm>> -> memref<4x64xi32, #tpu.memory_space<hbm>>
      %dma_start3A_48 = tpu.memref_slice %run_scoped3A_9[%rem3A_40] : memref<2x!tpu.dma_semaphore, #tpu.memory_space<semaphore_mem>> -> memref<1x!tpu.dma_semaphore, #tpu.memory_space<semaphore_mem>>
      %dma_start3A_49 = tpu.memref_squeeze %dma_start3A_48 : memref<1x!tpu.dma_semaphore, #tpu.memory_space<semaphore_mem>> -> memref<!tpu.dma_semaphore, #tpu.memory_space<semaphore_mem>>
      %dma_start3A_50 = arith.constant 0 : i32
      %dma_start3A_51 = arith.constant 0 : i32
      %dma_start3A_52 = tpu.memref_slice %run_scoped3A[%rem3A_40, %dma_start3A_50, %dma_start3A_51] : memref<2x4x64xi32, #tpu.memory_space<vmem>> -> memref<1x4x64xi32, #tpu.memory_space<vmem>>
      %dma_start3A_53 = tpu.memref_squeeze %dma_start3A_52 : memref<1x4x64xi32, #tpu.memory_space<vmem>> -> memref<4x64xi32, #tpu.memory_space<vmem>>
      %dma_start3A_54 = arith.constant 0 : i32
      %dma_start3A_55 = tpu.memref_slice %arg3[%mul3A_42, %dma_start3A_54] : memref<12800x64xi32, #tpu.memory_space<hbm>> -> memref<4x64xi32, #tpu.memory_space<hbm>>
      tpu.enqueue_dma source(%dma_start3A_55 : memref<4x64xi32, #tpu.memory_space<hbm>>) target(%dma_start3A_53 : memref<4x64xi32, #tpu.memory_space<vmem>>) target_semaphore(%dma_start3A_49 : memref<!tpu.dma_semaphore, #tpu.memory_space<semaphore_mem>>)
      %add3A_56 = arith.constant 0 : i32
      %add3A_57 = arith.constant 1 : i32
      %add3A_58 = arith.addi %add3A_56, %add3A_57 : i32
      %select_n3A_59 = arith.constant true
      %select_n3A_60 = arith.constant 0 : i32
      %select_n3A_61 = arith.select %select_n3A_59, %add3A_58, %select_n3A_60 : i32
      "tpu.trace_stop"() : () -> ()
      %scan3A = arith.constant 0 : i32
      %scan3A_62 = arith.constant 0 : i32
      %scan3A_63 = arith.constant 0 : i32
      %scan3A_64 = arith.constant 0 : i32
      %scan3A_65 = arith.constant 0 : i32
      %scan3A_66 = arith.constant 100 : i32
      %scan3A_67 = arith.addi %scan3A_65, %scan3A_66 : i32
      %scan3A_68 = arith.constant 1 : i32
      %scan3A_69:5 = scf.for %scan3A_123 = %scan3A_65 to %scan3A_67 step %scan3A_68 iter_args(%scan3A_124 = %select_n3A_61, %scan3A_125 = %scan3A, %scan3A_126 = %scan3A_62, %scan3A_127 = %scan3A_63, %scan3A_128 = %scan3A_64) -> (i32, i32, i32, i32, i32)  : i32 {
        %eq3A_129 = arith.constant 0 : i32
        %eq3A_130 = arith.cmpi eq, %scan3A_123, %eq3A_129 : i32
        %eq3A_131 = arith.constant 99 : i32
        %eq3A_132 = arith.cmpi eq, %scan3A_123, %eq3A_131 : i32
        %add3A_133 = arith.addi %scan3A_128, %mul3A_8 : i32
        %sub3A_134 = arith.constant 1 : i32
        %sub3A_135 = arith.subi %scan3A_128, %sub3A_134 : i32
        %select_n3A_136 = arith.constant true
        %select_n3A_137 = arith.select %select_n3A_136, %sub3A_135, %scan3A_128 : i32
        %eq3A_138 = arith.constant -1 : i32
        %eq3A_139 = arith.cmpi eq, %select_n3A_137, %eq3A_138 : i32
        %select_n3A_140 = arith.constant 99 : i32
        %select_n3A_141 = arith.select %eq3A_139, %select_n3A_140, %select_n3A_137 : i32
        %add3A_142 = arith.addi %select_n3A_141, %mul3A_8 : i32
        %add3A_143 = arith.constant 1 : i32
        %add3A_144 = arith.addi %scan3A_128, %add3A_143 : i32
        %select_n3A_145 = arith.constant true
        %select_n3A_146 = arith.select %select_n3A_145, %add3A_144, %scan3A_128 : i32
        %eq3A_147 = arith.constant 100 : i32
        %eq3A_148 = arith.cmpi eq, %select_n3A_146, %eq3A_147 : i32
        %select_n3A_149 = arith.constant 0 : i32
        %select_n3A_150 = arith.select %eq3A_148, %select_n3A_149, %select_n3A_146 : i32
        %add3A_151 = arith.addi %select_n3A_150, %mul3A_8 : i32
        %add3A_152 = arith.constant 1 : i32
        %add3A_153 = arith.addi %select_n3A_150, %add3A_152 : i32
        %select_n3A_154 = arith.constant true
        %select_n3A_155 = arith.select %select_n3A_154, %add3A_153, %select_n3A_150 : i32
        %eq3A_156 = arith.constant 100 : i32
        %eq3A_157 = arith.cmpi eq, %select_n3A_155, %eq3A_156 : i32
        %select_n3A_158 = arith.constant 0 : i32
        %select_n3A_159 = arith.select %eq3A_157, %select_n3A_158, %select_n3A_155 : i32
        %add3A_160 = arith.addi %select_n3A_159, %mul3A_8 : i32
        %ne3A = arith.cmpi ne, %add3A_133, %add3A_151 : i32
        %or3A = arith.constant false
        %or3A_161 = arith.ori %or3A, %ne3A : i1
        %or3A_162 = arith.constant false
        %or3A_163 = arith.ori %or3A_161, %or3A_162 : i1
        %ge3A = arith.constant 99 : i32
        %ge3A_164 = arith.cmpi sge, %scan3A_123, %ge3A : i32
        %not3A = arith.constant true
        %not3A_165 = arith.xori %ge3A_164, %not3A : i1
        %and3A = arith.andi %or3A_163, %not3A_165 : i1
        %convert_element_type3A = arith.extui %and3A : i1 to i32
        %cond3A = arith.constant 0 : i32
        %cond3A_166 = arith.cmpi ne, %convert_element_type3A, %cond3A : i32
        scf.if %cond3A_166 {
          "tpu.trace_start"() <{level = 10 : i32, message = "ep_copy_in"}> : () -> ()
          %rem3A_419 = arith.constant 2 : i32
          %rem3A_420 = arith.remui %scan3A_124, %rem3A_419 : i32
          %mul3A_421 = arith.constant 4 : i32
          %mul3A_422 = arith.muli %mul3A_421, %add3A_151 : i32
          %dma_start3A_423 = arith.constant 0 : i32
          %dma_start3A_424 = arith.constant 0 : i32
          %dma_start3A_425 = tpu.memref_slice %run_scoped3A[%rem3A_420, %dma_start3A_423, %dma_start3A_424] : memref<2x4x64xi32, #tpu.memory_space<vmem>> -> memref<1x4x64xi32, #tpu.memory_space<vmem>>
          %dma_start3A_426 = tpu.memref_squeeze %dma_start3A_425 : memref<1x4x64xi32, #tpu.memory_space<vmem>> -> memref<4x64xi32, #tpu.memory_space<vmem>>
          %dma_start3A_427 = arith.constant 0 : i32
          %dma_start3A_428 = tpu.memref_slice %arg3[%mul3A_422, %dma_start3A_427] : memref<12800x64xi32, #tpu.memory_space<hbm>> -> memref<4x64xi32, #tpu.memory_space<hbm>>
          %dma_start3A_429 = tpu.memref_slice %run_scoped3A_9[%rem3A_420] : memref<2x!tpu.dma_semaphore, #tpu.memory_space<semaphore_mem>> -> memref<1x!tpu.dma_semaphore, #tpu.memory_space<semaphore_mem>>
          %dma_start3A_430 = tpu.memref_squeeze %dma_start3A_429 : memref<1x!tpu.dma_semaphore, #tpu.memory_space<semaphore_mem>> -> memref<!tpu.dma_semaphore, #tpu.memory_space<semaphore_mem>>
          %dma_start3A_431 = arith.constant 0 : i32
          %dma_start3A_432 = arith.constant 0 : i32
          %dma_start3A_433 = tpu.memref_slice %run_scoped3A[%rem3A_420, %dma_start3A_431, %dma_start3A_432] : memref<2x4x64xi32, #tpu.memory_space<vmem>> -> memref<1x4x64xi32, #tpu.memory_space<vmem>>
          %dma_start3A_434 = tpu.memref_squeeze %dma_start3A_433 : memref<1x4x64xi32, #tpu.memory_space<vmem>> -> memref<4x64xi32, #tpu.memory_space<vmem>>
          %dma_start3A_435 = arith.constant 0 : i32
          %dma_start3A_436 = tpu.memref_slice %arg3[%mul3A_422, %dma_start3A_435] : memref<12800x64xi32, #tpu.memory_space<hbm>> -> memref<4x64xi32, #tpu.memory_space<hbm>>
          tpu.enqueue_dma source(%dma_start3A_436 : memref<4x64xi32, #tpu.memory_space<hbm>>) target(%dma_start3A_434 : memref<4x64xi32, #tpu.memory_space<vmem>>) target_semaphore(%dma_start3A_430 : memref<!tpu.dma_semaphore, #tpu.memory_space<semaphore_mem>>)
          "tpu.trace_stop"() : () -> ()
        } else {
        }
        %and3A_167 = arith.constant true
        %and3A_168 = arith.andi %and3A, %and3A_167 : i1
        %add3A_169 = arith.constant 1 : i32
        %add3A_170 = arith.addi %scan3A_124, %add3A_169 : i32
        %select_n3A_171 = arith.select %and3A_168, %add3A_170, %scan3A_124 : i32
        %ne3A_172 = arith.cmpi ne, %add3A_133, %add3A_151 : i32
        %or3A_173 = arith.constant false
        %or3A_174 = arith.ori %or3A_173, %ne3A_172 : i1
        %or3A_175 = arith.constant false
        %or3A_176 = arith.ori %or3A_174, %or3A_175 : i1
        %ge3A_177 = arith.constant 99 : i32
        %ge3A_178 = arith.cmpi sge, %scan3A_123, %ge3A_177 : i32
        %not3A_179 = arith.constant true
        %not3A_180 = arith.xori %ge3A_178, %not3A_179 : i1
        %and3A_181 = arith.andi %or3A_176, %not3A_180 : i1
        %ne3A_182 = arith.cmpi ne, %add3A_133, %add3A_142 : i32
        %or3A_183 = arith.constant false
        %or3A_184 = arith.ori %or3A_183, %ne3A_182 : i1
        %or3A_185 = arith.constant false
        %or3A_186 = arith.ori %or3A_184, %or3A_185 : i1
        %or3A_187 = arith.ori %or3A_186, %eq3A_130 : i1
        %convert_element_type3A_188 = arith.extui %or3A_187 : i1 to i32
        %cond3A_189 = arith.constant 0 : i32
        %cond3A_190 = arith.cmpi ne, %convert_element_type3A_188, %cond3A_189 : i32
        scf.if %cond3A_190 {
          "tpu.trace_start"() <{level = 10 : i32, message = "ep_wait_in"}> : () -> ()
          %mul3A_419 = arith.constant 4 : i32
          %mul3A_420 = arith.muli %mul3A_419, %add3A_133 : i32
          %rem3A_421 = arith.constant 2 : i32
          %rem3A_422 = arith.remui %scan3A_125, %rem3A_421 : i32
          %dma_wait3A_423 = arith.constant 0 : i32
          %dma_wait3A_424 = arith.constant 0 : i32
          %dma_wait3A_425 = tpu.memref_slice %run_scoped3A[%rem3A_422, %dma_wait3A_423, %dma_wait3A_424] : memref<2x4x64xi32, #tpu.memory_space<vmem>> -> memref<1x4x64xi32, #tpu.memory_space<vmem>>
          %dma_wait3A_426 = tpu.memref_squeeze %dma_wait3A_425 : memref<1x4x64xi32, #tpu.memory_space<vmem>> -> memref<4x64xi32, #tpu.memory_space<vmem>>
          %dma_wait3A_427 = arith.constant 0 : i32
          %dma_wait3A_428 = tpu.memref_slice %arg3[%mul3A_420, %dma_wait3A_427] : memref<12800x64xi32, #tpu.memory_space<hbm>> -> memref<4x64xi32, #tpu.memory_space<hbm>>
          %dma_wait3A_429 = tpu.memref_slice %run_scoped3A_9[%rem3A_422] : memref<2x!tpu.dma_semaphore, #tpu.memory_space<semaphore_mem>> -> memref<1x!tpu.dma_semaphore, #tpu.memory_space<semaphore_mem>>
          %dma_wait3A_430 = tpu.memref_squeeze %dma_wait3A_429 : memref<1x!tpu.dma_semaphore, #tpu.memory_space<semaphore_mem>> -> memref<!tpu.dma_semaphore, #tpu.memory_space<semaphore_mem>>
          %dma_wait3A_431 = arith.constant 0 : i32
          %dma_wait3A_432 = arith.constant 0 : i32
          %dma_wait3A_433 = tpu.memref_slice %run_scoped3A[%rem3A_422, %dma_wait3A_431, %dma_wait3A_432] : memref<2x4x64xi32, #tpu.memory_space<vmem>> -> memref<1x4x64xi32, #tpu.memory_space<vmem>>
          %dma_wait3A_434 = tpu.memref_squeeze %dma_wait3A_433 : memref<1x4x64xi32, #tpu.memory_space<vmem>> -> memref<4x64xi32, #tpu.memory_space<vmem>>
          %dma_wait3A_435 = arith.constant 0 : i32
          %dma_wait3A_436 = tpu.memref_slice %arg3[%mul3A_420, %dma_wait3A_435] : memref<12800x64xi32, #tpu.memory_space<hbm>> -> memref<4x64xi32, #tpu.memory_space<hbm>>
          tpu.wait_dma2 semaphore(%dma_wait3A_430 : memref<!tpu.dma_semaphore, #tpu.memory_space<semaphore_mem>>) src(%dma_wait3A_436 : memref<4x64xi32, #tpu.memory_space<hbm>>) dst(%dma_wait3A_434 : memref<4x64xi32, #tpu.memory_space<vmem>>)
          "tpu.trace_stop"() : () -> ()
        } else {
        }
        %ne3A_191 = arith.cmpi ne, %add3A_133, %add3A_142 : i32
        %or3A_192 = arith.constant false
        %or3A_193 = arith.ori %or3A_192, %ne3A_191 : i1
        %or3A_194 = arith.constant false
        %or3A_195 = arith.ori %or3A_193, %or3A_194 : i1
        %or3A_196 = arith.ori %or3A_195, %eq3A_130 : i1
        %convert_element_type3A_197 = arith.extui %or3A_196 : i1 to i32
        %cond3A_198 = arith.constant 0 : i32
        %cond3A_199 = arith.cmpi ne, %convert_element_type3A_197, %cond3A_198 : i32
        scf.if %cond3A_199 {
        } else {
        }
        %rem3A_200 = arith.constant 2 : i32
        %rem3A_201 = arith.remui %scan3A_125, %rem3A_200 : i32
        %rem3A_202 = arith.constant 2 : i32
        %rem3A_203 = arith.remui %scan3A_126, %rem3A_202 : i32
        %dma_start3A_204 = arith.constant 0 : i32
        "tpu.trace_start"() <{level = 10 : i32, message = "ep_run_kernel"}> : () -> ()
        %dma_start3A_205 = arith.constant 0 : i32
        %dma_start3A_206 = arith.constant 0 : i32
        %dma_start3A_207 = tpu.memref_slice %run_scoped3A_10[%rem3A_203, %dma_start3A_205, %dma_start3A_206] : memref<2x256x128xf32, #tpu.memory_space<vmem>> -> memref<1x256x128xf32, #tpu.memory_space<vmem>>
        %dma_start3A_208 = tpu.memref_squeeze %dma_start3A_207 : memref<1x256x128xf32, #tpu.memory_space<vmem>> -> memref<256x128xf32, #tpu.memory_space<vmem>>
        %dma_start3A_209 = arith.constant 0 : i32
        %dma_start3A_210 = arith.constant 0 : i32
        %dma_start3A_211 = tpu.memref_slice %dma_start3A_208[%dma_start3A_209, %dma_start3A_210] : memref<256x128xf32, #tpu.memory_space<vmem>> -> memref<64x128xf32, #tpu.memory_space<vmem>>
        %dma_start3A_212 = arith.constant 0 : i32
        %dma_start3A_213 = arith.constant 0 : i32
        %dma_start3A_214 = tpu.memref_slice %run_scoped3A[%rem3A_201, %dma_start3A_212, %dma_start3A_213] : memref<2x4x64xi32, #tpu.memory_space<vmem>> -> memref<1x4x64xi32, #tpu.memory_space<vmem>>
        %dma_start3A_215 = tpu.memref_squeeze %dma_start3A_214 : memref<1x4x64xi32, #tpu.memory_space<vmem>> -> memref<4x64xi32, #tpu.memory_space<vmem>>
        %dma_start3A_216 = arith.constant 0 : i32
        %dma_start3A_217 = tpu.memref_slice %dma_start3A_215[%dma_start3A_204, %dma_start3A_216] : memref<4x64xi32, #tpu.memory_space<vmem>> -> memref<1x64xi32, #tpu.memory_space<vmem>>
        %dma_start3A_218 = tpu.memref_squeeze %dma_start3A_217 : memref<1x64xi32, #tpu.memory_space<vmem>> -> memref<64xi32, #tpu.memory_space<vmem>>
        %dma_start3A_219 = arith.constant 0 : i32
        %dma_start3A_220 = arith.constant 0 : i32
        %dma_start3A_221 = tpu.memref_slice %arg5[%dma_start3A_219, %dma_start3A_220] : memref<1024x128xf32, #tpu.memory_space<vmem_shared>> -> memref<1024x128xf32, #tpu.memory_space<vmem_shared>>
        tpu.enqueue_indirect_dma source(%dma_start3A_221 : memref<1024x128xf32, #tpu.memory_space<vmem_shared>>) target(%dma_start3A_211 : memref<64x128xf32, #tpu.memory_space<vmem>>) offsets(%dma_start3A_218 : memref<64xi32, #tpu.memory_space<vmem>>) semaphore(%arg6 : memref<!tpu.dma_semaphore, #tpu.memory_space<semaphore_mem>>)
        %dma_start3A_222 = arith.constant 1 : i32
        %dma_start3A_223 = arith.constant 0 : i32
        %dma_start3A_224 = arith.constant 0 : i32
        %dma_start3A_225 = tpu.memref_slice %run_scoped3A_10[%rem3A_203, %dma_start3A_223, %dma_start3A_224] : memref<2x256x128xf32, #tpu.memory_space<vmem>> -> memref<1x256x128xf32, #tpu.memory_space<vmem>>
        %dma_start3A_226 = tpu.memref_squeeze %dma_start3A_225 : memref<1x256x128xf32, #tpu.memory_space<vmem>> -> memref<256x128xf32, #tpu.memory_space<vmem>>
        %dma_start3A_227 = arith.constant 64 : i32
        %dma_start3A_228 = arith.constant 0 : i32
        %dma_start3A_229 = tpu.memref_slice %dma_start3A_226[%dma_start3A_227, %dma_start3A_228] : memref<256x128xf32, #tpu.memory_space<vmem>> -> memref<64x128xf32, #tpu.memory_space<vmem>>
        %dma_start3A_230 = arith.constant 0 : i32
        %dma_start3A_231 = arith.constant 0 : i32
        %dma_start3A_232 = tpu.memref_slice %run_scoped3A[%rem3A_201, %dma_start3A_230, %dma_start3A_231] : memref<2x4x64xi32, #tpu.memory_space<vmem>> -> memref<1x4x64xi32, #tpu.memory_space<vmem>>
        %dma_start3A_233 = tpu.memref_squeeze %dma_start3A_232 : memref<1x4x64xi32, #tpu.memory_space<vmem>> -> memref<4x64xi32, #tpu.memory_space<vmem>>
        %dma_start3A_234 = arith.constant 0 : i32
        %dma_start3A_235 = tpu.memref_slice %dma_start3A_233[%dma_start3A_222, %dma_start3A_234] : memref<4x64xi32, #tpu.memory_space<vmem>> -> memref<1x64xi32, #tpu.memory_space<vmem>>
        %dma_start3A_236 = tpu.memref_squeeze %dma_start3A_235 : memref<1x64xi32, #tpu.memory_space<vmem>> -> memref<64xi32, #tpu.memory_space<vmem>>
        %dma_start3A_237 = arith.constant 0 : i32
        %dma_start3A_238 = arith.constant 0 : i32
        %dma_start3A_239 = tpu.memref_slice %arg5[%dma_start3A_237, %dma_start3A_238] : memref<1024x128xf32, #tpu.memory_space<vmem_shared>> -> memref<1024x128xf32, #tpu.memory_space<vmem_shared>>
        tpu.enqueue_indirect_dma source(%dma_start3A_239 : memref<1024x128xf32, #tpu.memory_space<vmem_shared>>) target(%dma_start3A_229 : memref<64x128xf32, #tpu.memory_space<vmem>>) offsets(%dma_start3A_236 : memref<64xi32, #tpu.memory_space<vmem>>) semaphore(%arg7 : memref<!tpu.dma_semaphore, #tpu.memory_space<semaphore_mem>>)
        %dma_start3A_240 = arith.constant 2 : i32
        %dma_start3A_241 = arith.constant 0 : i32
        %dma_start3A_242 = arith.constant 0 : i32
        %dma_start3A_243 = tpu.memref_slice %run_scoped3A_10[%rem3A_203, %dma_start3A_241, %dma_start3A_242] : memref<2x256x128xf32, #tpu.memory_space<vmem>> -> memref<1x256x128xf32, #tpu.memory_space<vmem>>
        %dma_start3A_244 = tpu.memref_squeeze %dma_start3A_243 : memref<1x256x128xf32, #tpu.memory_space<vmem>> -> memref<256x128xf32, #tpu.memory_space<vmem>>
        %dma_start3A_245 = arith.constant 128 : i32
        %dma_start3A_246 = arith.constant 0 : i32
        %dma_start3A_247 = tpu.memref_slice %dma_start3A_244[%dma_start3A_245, %dma_start3A_246] : memref<256x128xf32, #tpu.memory_space<vmem>> -> memref<64x128xf32, #tpu.memory_space<vmem>>
        %dma_start3A_248 = arith.constant 0 : i32
        %dma_start3A_249 = arith.constant 0 : i32
        %dma_start3A_250 = tpu.memref_slice %run_scoped3A[%rem3A_201, %dma_start3A_248, %dma_start3A_249] : memref<2x4x64xi32, #tpu.memory_space<vmem>> -> memref<1x4x64xi32, #tpu.memory_space<vmem>>
        %dma_start3A_251 = tpu.memref_squeeze %dma_start3A_250 : memref<1x4x64xi32, #tpu.memory_space<vmem>> -> memref<4x64xi32, #tpu.memory_space<vmem>>
        %dma_start3A_252 = arith.constant 0 : i32
        %dma_start3A_253 = tpu.memref_slice %dma_start3A_251[%dma_start3A_240, %dma_start3A_252] : memref<4x64xi32, #tpu.memory_space<vmem>> -> memref<1x64xi32, #tpu.memory_space<vmem>>
        %dma_start3A_254 = tpu.memref_squeeze %dma_start3A_253 : memref<1x64xi32, #tpu.memory_space<vmem>> -> memref<64xi32, #tpu.memory_space<vmem>>
        %dma_start3A_255 = arith.constant 0 : i32
        %dma_start3A_256 = arith.constant 0 : i32
        %dma_start3A_257 = tpu.memref_slice %arg5[%dma_start3A_255, %dma_start3A_256] : memref<1024x128xf32, #tpu.memory_space<vmem_shared>> -> memref<1024x128xf32, #tpu.memory_space<vmem_shared>>
        tpu.enqueue_indirect_dma source(%dma_start3A_257 : memref<1024x128xf32, #tpu.memory_space<vmem_shared>>) target(%dma_start3A_247 : memref<64x128xf32, #tpu.memory_space<vmem>>) offsets(%dma_start3A_254 : memref<64xi32, #tpu.memory_space<vmem>>) semaphore(%arg8 : memref<!tpu.dma_semaphore, #tpu.memory_space<semaphore_mem>>)
        %dma_start3A_258 = arith.constant 3 : i32
        %dma_start3A_259 = arith.constant 0 : i32
        %dma_start3A_260 = arith.constant 0 : i32
        %dma_start3A_261 = tpu.memref_slice %run_scoped3A_10[%rem3A_203, %dma_start3A_259, %dma_start3A_260] : memref<2x256x128xf32, #tpu.memory_space<vmem>> -> memref<1x256x128xf32, #tpu.memory_space<vmem>>
        %dma_start3A_262 = tpu.memref_squeeze %dma_start3A_261 : memref<1x256x128xf32, #tpu.memory_space<vmem>> -> memref<256x128xf32, #tpu.memory_space<vmem>>
        %dma_start3A_263 = arith.constant 192 : i32
        %dma_start3A_264 = arith.constant 0 : i32
        %dma_start3A_265 = tpu.memref_slice %dma_start3A_262[%dma_start3A_263, %dma_start3A_264] : memref<256x128xf32, #tpu.memory_space<vmem>> -> memref<64x128xf32, #tpu.memory_space<vmem>>
        %dma_start3A_266 = arith.constant 0 : i32
        %dma_start3A_267 = arith.constant 0 : i32
        %dma_start3A_268 = tpu.memref_slice %run_scoped3A[%rem3A_201, %dma_start3A_266, %dma_start3A_267] : memref<2x4x64xi32, #tpu.memory_space<vmem>> -> memref<1x4x64xi32, #tpu.memory_space<vmem>>
        %dma_start3A_269 = tpu.memref_squeeze %dma_start3A_268 : memref<1x4x64xi32, #tpu.memory_space<vmem>> -> memref<4x64xi32, #tpu.memory_space<vmem>>
        %dma_start3A_270 = arith.constant 0 : i32
        %dma_start3A_271 = tpu.memref_slice %dma_start3A_269[%dma_start3A_258, %dma_start3A_270] : memref<4x64xi32, #tpu.memory_space<vmem>> -> memref<1x64xi32, #tpu.memory_space<vmem>>
        %dma_start3A_272 = tpu.memref_squeeze %dma_start3A_271 : memref<1x64xi32, #tpu.memory_space<vmem>> -> memref<64xi32, #tpu.memory_space<vmem>>
        %dma_start3A_273 = arith.constant 0 : i32
        %dma_start3A_274 = arith.constant 0 : i32
        %dma_start3A_275 = tpu.memref_slice %arg5[%dma_start3A_273, %dma_start3A_274] : memref<1024x128xf32, #tpu.memory_space<vmem_shared>> -> memref<1024x128xf32, #tpu.memory_space<vmem_shared>>
        tpu.enqueue_indirect_dma source(%dma_start3A_275 : memref<1024x128xf32, #tpu.memory_space<vmem_shared>>) target(%dma_start3A_265 : memref<64x128xf32, #tpu.memory_space<vmem>>) offsets(%dma_start3A_272 : memref<64xi32, #tpu.memory_space<vmem>>) semaphore(%arg9 : memref<!tpu.dma_semaphore, #tpu.memory_space<semaphore_mem>>)
        %dma_wait3A_276 = arith.constant 0 : i32
        %dma_wait3A_277 = arith.constant 0 : i32
        %dma_wait3A_278 = arith.constant 0 : i32
        %dma_wait3A_279 = tpu.memref_slice %run_scoped3A_10[%rem3A_203, %dma_wait3A_277, %dma_wait3A_278] : memref<2x256x128xf32, #tpu.memory_space<vmem>> -> memref<1x256x128xf32, #tpu.memory_space<vmem>>
        %dma_wait3A_280 = tpu.memref_squeeze %dma_wait3A_279 : memref<1x256x128xf32, #tpu.memory_space<vmem>> -> memref<256x128xf32, #tpu.memory_space<vmem>>
        %dma_wait3A_281 = arith.constant 0 : i32
        %dma_wait3A_282 = arith.constant 0 : i32
        %dma_wait3A_283 = tpu.memref_slice %dma_wait3A_280[%dma_wait3A_281, %dma_wait3A_282] : memref<256x128xf32, #tpu.memory_space<vmem>> -> memref<64x128xf32, #tpu.memory_space<vmem>>
        %dma_wait3A_284 = arith.constant 0 : i32
        %dma_wait3A_285 = arith.constant 0 : i32
        %dma_wait3A_286 = tpu.memref_slice %run_scoped3A[%rem3A_201, %dma_wait3A_284, %dma_wait3A_285] : memref<2x4x64xi32, #tpu.memory_space<vmem>> -> memref<1x4x64xi32, #tpu.memory_space<vmem>>
        %dma_wait3A_287 = tpu.memref_squeeze %dma_wait3A_286 : memref<1x4x64xi32, #tpu.memory_space<vmem>> -> memref<4x64xi32, #tpu.memory_space<vmem>>
        %dma_wait3A_288 = arith.constant 0 : i32
        %dma_wait3A_289 = tpu.memref_slice %dma_wait3A_287[%dma_wait3A_276, %dma_wait3A_288] : memref<4x64xi32, #tpu.memory_space<vmem>> -> memref<1x64xi32, #tpu.memory_space<vmem>>
        %dma_wait3A_290 = tpu.memref_squeeze %dma_wait3A_289 : memref<1x64xi32, #tpu.memory_space<vmem>> -> memref<64xi32, #tpu.memory_space<vmem>>
        %dma_wait3A_291 = arith.constant 0 : i32
        %dma_wait3A_292 = arith.constant 0 : i32
        %dma_wait3A_293 = tpu.memref_slice %arg5[%dma_wait3A_291, %dma_wait3A_292] : memref<1024x128xf32, #tpu.memory_space<vmem_shared>> -> memref<1024x128xf32, #tpu.memory_space<vmem_shared>>
        tpu.wait_indirect_dma semaphore(%arg6 : memref<!tpu.dma_semaphore, #tpu.memory_space<semaphore_mem>>) src(%dma_wait3A_293 : memref<1024x128xf32, #tpu.memory_space<vmem_shared>>) dst(%dma_wait3A_283 : memref<64x128xf32, #tpu.memory_space<vmem>>)
        %dma_wait3A_294 = arith.constant 1 : i32
        %dma_wait3A_295 = arith.constant 0 : i32
        %dma_wait3A_296 = arith.constant 0 : i32
        %dma_wait3A_297 = tpu.memref_slice %run_scoped3A_10[%rem3A_203, %dma_wait3A_295, %dma_wait3A_296] : memref<2x256x128xf32, #tpu.memory_space<vmem>> -> memref<1x256x128xf32, #tpu.memory_space<vmem>>
        %dma_wait3A_298 = tpu.memref_squeeze %dma_wait3A_297 : memref<1x256x128xf32, #tpu.memory_space<vmem>> -> memref<256x128xf32, #tpu.memory_space<vmem>>
        %dma_wait3A_299 = arith.constant 64 : i32
        %dma_wait3A_300 = arith.constant 0 : i32
        %dma_wait3A_301 = tpu.memref_slice %dma_wait3A_298[%dma_wait3A_299, %dma_wait3A_300] : memref<256x128xf32, #tpu.memory_space<vmem>> -> memref<64x128xf32, #tpu.memory_space<vmem>>
        %dma_wait3A_302 = arith.constant 0 : i32
        %dma_wait3A_303 = arith.constant 0 : i32
        %dma_wait3A_304 = tpu.memref_slice %run_scoped3A[%rem3A_201, %dma_wait3A_302, %dma_wait3A_303] : memref<2x4x64xi32, #tpu.memory_space<vmem>> -> memref<1x4x64xi32, #tpu.memory_space<vmem>>
        %dma_wait3A_305 = tpu.memref_squeeze %dma_wait3A_304 : memref<1x4x64xi32, #tpu.memory_space<vmem>> -> memref<4x64xi32, #tpu.memory_space<vmem>>
        %dma_wait3A_306 = arith.constant 0 : i32
        %dma_wait3A_307 = tpu.memref_slice %dma_wait3A_305[%dma_wait3A_294, %dma_wait3A_306] : memref<4x64xi32, #tpu.memory_space<vmem>> -> memref<1x64xi32, #tpu.memory_space<vmem>>
        %dma_wait3A_308 = tpu.memref_squeeze %dma_wait3A_307 : memref<1x64xi32, #tpu.memory_space<vmem>> -> memref<64xi32, #tpu.memory_space<vmem>>
        %dma_wait3A_309 = arith.constant 0 : i32
        %dma_wait3A_310 = arith.constant 0 : i32
        %dma_wait3A_311 = tpu.memref_slice %arg5[%dma_wait3A_309, %dma_wait3A_310] : memref<1024x128xf32, #tpu.memory_space<vmem_shared>> -> memref<1024x128xf32, #tpu.memory_space<vmem_shared>>
        tpu.wait_indirect_dma semaphore(%arg7 : memref<!tpu.dma_semaphore, #tpu.memory_space<semaphore_mem>>) src(%dma_wait3A_311 : memref<1024x128xf32, #tpu.memory_space<vmem_shared>>) dst(%dma_wait3A_301 : memref<64x128xf32, #tpu.memory_space<vmem>>)
        %dma_wait3A_312 = arith.constant 2 : i32
        %dma_wait3A_313 = arith.constant 0 : i32
        %dma_wait3A_314 = arith.constant 0 : i32
        %dma_wait3A_315 = tpu.memref_slice %run_scoped3A_10[%rem3A_203, %dma_wait3A_313, %dma_wait3A_314] : memref<2x256x128xf32, #tpu.memory_space<vmem>> -> memref<1x256x128xf32, #tpu.memory_space<vmem>>
        %dma_wait3A_316 = tpu.memref_squeeze %dma_wait3A_315 : memref<1x256x128xf32, #tpu.memory_space<vmem>> -> memref<256x128xf32, #tpu.memory_space<vmem>>
        %dma_wait3A_317 = arith.constant 128 : i32
        %dma_wait3A_318 = arith.constant 0 : i32
        %dma_wait3A_319 = tpu.memref_slice %dma_wait3A_316[%dma_wait3A_317, %dma_wait3A_318] : memref<256x128xf32, #tpu.memory_space<vmem>> -> memref<64x128xf32, #tpu.memory_space<vmem>>
        %dma_wait3A_320 = arith.constant 0 : i32
        %dma_wait3A_321 = arith.constant 0 : i32
        %dma_wait3A_322 = tpu.memref_slice %run_scoped3A[%rem3A_201, %dma_wait3A_320, %dma_wait3A_321] : memref<2x4x64xi32, #tpu.memory_space<vmem>> -> memref<1x4x64xi32, #tpu.memory_space<vmem>>
        %dma_wait3A_323 = tpu.memref_squeeze %dma_wait3A_322 : memref<1x4x64xi32, #tpu.memory_space<vmem>> -> memref<4x64xi32, #tpu.memory_space<vmem>>
        %dma_wait3A_324 = arith.constant 0 : i32
        %dma_wait3A_325 = tpu.memref_slice %dma_wait3A_323[%dma_wait3A_312, %dma_wait3A_324] : memref<4x64xi32, #tpu.memory_space<vmem>> -> memref<1x64xi32, #tpu.memory_space<vmem>>
        %dma_wait3A_326 = tpu.memref_squeeze %dma_wait3A_325 : memref<1x64xi32, #tpu.memory_space<vmem>> -> memref<64xi32, #tpu.memory_space<vmem>>
        %dma_wait3A_327 = arith.constant 0 : i32
        %dma_wait3A_328 = arith.constant 0 : i32
        %dma_wait3A_329 = tpu.memref_slice %arg5[%dma_wait3A_327, %dma_wait3A_328] : memref<1024x128xf32, #tpu.memory_space<vmem_shared>> -> memref<1024x128xf32, #tpu.memory_space<vmem_shared>>
        tpu.wait_indirect_dma semaphore(%arg8 : memref<!tpu.dma_semaphore, #tpu.memory_space<semaphore_mem>>) src(%dma_wait3A_329 : memref<1024x128xf32, #tpu.memory_space<vmem_shared>>) dst(%dma_wait3A_319 : memref<64x128xf32, #tpu.memory_space<vmem>>)
        %dma_wait3A_330 = arith.constant 3 : i32
        %dma_wait3A_331 = arith.constant 0 : i32
        %dma_wait3A_332 = arith.constant 0 : i32
        %dma_wait3A_333 = tpu.memref_slice %run_scoped3A_10[%rem3A_203, %dma_wait3A_331, %dma_wait3A_332] : memref<2x256x128xf32, #tpu.memory_space<vmem>> -> memref<1x256x128xf32, #tpu.memory_space<vmem>>
        %dma_wait3A_334 = tpu.memref_squeeze %dma_wait3A_333 : memref<1x256x128xf32, #tpu.memory_space<vmem>> -> memref<256x128xf32, #tpu.memory_space<vmem>>
        %dma_wait3A_335 = arith.constant 192 : i32
        %dma_wait3A_336 = arith.constant 0 : i32
        %dma_wait3A_337 = tpu.memref_slice %dma_wait3A_334[%dma_wait3A_335, %dma_wait3A_336] : memref<256x128xf32, #tpu.memory_space<vmem>> -> memref<64x128xf32, #tpu.memory_space<vmem>>
        %dma_wait3A_338 = arith.constant 0 : i32
        %dma_wait3A_339 = arith.constant 0 : i32
        %dma_wait3A_340 = tpu.memref_slice %run_scoped3A[%rem3A_201, %dma_wait3A_338, %dma_wait3A_339] : memref<2x4x64xi32, #tpu.memory_space<vmem>> -> memref<1x4x64xi32, #tpu.memory_space<vmem>>
        %dma_wait3A_341 = tpu.memref_squeeze %dma_wait3A_340 : memref<1x4x64xi32, #tpu.memory_space<vmem>> -> memref<4x64xi32, #tpu.memory_space<vmem>>
        %dma_wait3A_342 = arith.constant 0 : i32
        %dma_wait3A_343 = tpu.memref_slice %dma_wait3A_341[%dma_wait3A_330, %dma_wait3A_342] : memref<4x64xi32, #tpu.memory_space<vmem>> -> memref<1x64xi32, #tpu.memory_space<vmem>>
        %dma_wait3A_344 = tpu.memref_squeeze %dma_wait3A_343 : memref<1x64xi32, #tpu.memory_space<vmem>> -> memref<64xi32, #tpu.memory_space<vmem>>
        %dma_wait3A_345 = arith.constant 0 : i32
        %dma_wait3A_346 = arith.constant 0 : i32
        %dma_wait3A_347 = tpu.memref_slice %arg5[%dma_wait3A_345, %dma_wait3A_346] : memref<1024x128xf32, #tpu.memory_space<vmem_shared>> -> memref<1024x128xf32, #tpu.memory_space<vmem_shared>>
        tpu.wait_indirect_dma semaphore(%arg9 : memref<!tpu.dma_semaphore, #tpu.memory_space<semaphore_mem>>) src(%dma_wait3A_347 : memref<1024x128xf32, #tpu.memory_space<vmem_shared>>) dst(%dma_wait3A_337 : memref<64x128xf32, #tpu.memory_space<vmem>>)
        "tpu.trace_stop"() : () -> ()
        %ne3A_348 = arith.cmpi ne, %add3A_133, %add3A_151 : i32
        %or3A_349 = arith.constant false
        %or3A_350 = arith.ori %or3A_349, %ne3A_348 : i1
        %or3A_351 = arith.constant false
        %or3A_352 = arith.ori %or3A_350, %or3A_351 : i1
        %or3A_353 = arith.ori %or3A_352, %eq3A_132 : i1
        %convert_element_type3A_354 = arith.extui %or3A_353 : i1 to i32
        %cond3A_355 = arith.constant 0 : i32
        %cond3A_356 = arith.cmpi ne, %convert_element_type3A_354, %cond3A_355 : i32
        scf.if %cond3A_356 {
        } else {
        }
        %and3A_357 = arith.constant false
        %and3A_358 = arith.andi %or3A_353, %and3A_357 : i1
        %ne3A_359 = arith.cmpi ne, %add3A_133, %add3A_151 : i32
        %or3A_360 = arith.constant false
        %or3A_361 = arith.ori %or3A_360, %ne3A_359 : i1
        %or3A_362 = arith.constant false
        %or3A_363 = arith.ori %or3A_361, %or3A_362 : i1
        %or3A_364 = arith.ori %or3A_363, %eq3A_132 : i1
        %convert_element_type3A_365 = arith.extui %or3A_364 : i1 to i32
        %cond3A_366 = arith.constant 0 : i32
        %cond3A_367 = arith.cmpi ne, %convert_element_type3A_365, %cond3A_366 : i32
        scf.if %cond3A_367 {
          "tpu.trace_start"() <{level = 10 : i32, message = "ep_copy_out"}> : () -> ()
          %rem3A_419 = arith.constant 2 : i32
          %rem3A_420 = arith.remui %scan3A_126, %rem3A_419 : i32
          %mul3A_421 = arith.constant 256 : i32
          %mul3A_422 = arith.muli %mul3A_421, %add3A_133 : i32
          %dma_start3A_423 = arith.constant 0 : i32
          %dma_start3A_424 = arith.constant 0 : i32
          %dma_start3A_425 = tpu.memref_slice %run_scoped3A_10[%rem3A_420, %dma_start3A_423, %dma_start3A_424] : memref<2x256x128xf32, #tpu.memory_space<vmem>> -> memref<1x256x128xf32, #tpu.memory_space<vmem>>
          %dma_start3A_426 = tpu.memref_squeeze %dma_start3A_425 : memref<1x256x128xf32, #tpu.memory_space<vmem>> -> memref<256x128xf32, #tpu.memory_space<vmem>>
          %dma_start3A_427 = arith.constant 0 : i32
          %dma_start3A_428 = tpu.memref_slice %arg4[%mul3A_422, %dma_start3A_427] : memref<819200x128xf32, #tpu.memory_space<hbm>> -> memref<256x128xf32, #tpu.memory_space<hbm>>
          %dma_start3A_429 = tpu.memref_slice %run_scoped3A_11[%rem3A_420] : memref<2x!tpu.dma_semaphore, #tpu.memory_space<semaphore_mem>> -> memref<1x!tpu.dma_semaphore, #tpu.memory_space<semaphore_mem>>
          %dma_start3A_430 = tpu.memref_squeeze %dma_start3A_429 : memref<1x!tpu.dma_semaphore, #tpu.memory_space<semaphore_mem>> -> memref<!tpu.dma_semaphore, #tpu.memory_space<semaphore_mem>>
          %dma_start3A_431 = arith.constant 0 : i32
          %dma_start3A_432 = tpu.memref_slice %arg4[%mul3A_422, %dma_start3A_431] : memref<819200x128xf32, #tpu.memory_space<hbm>> -> memref<256x128xf32, #tpu.memory_space<hbm>>
          %dma_start3A_433 = arith.constant 0 : i32
          %dma_start3A_434 = arith.constant 0 : i32
          %dma_start3A_435 = tpu.memref_slice %run_scoped3A_10[%rem3A_420, %dma_start3A_433, %dma_start3A_434] : memref<2x256x128xf32, #tpu.memory_space<vmem>> -> memref<1x256x128xf32, #tpu.memory_space<vmem>>
          %dma_start3A_436 = tpu.memref_squeeze %dma_start3A_435 : memref<1x256x128xf32, #tpu.memory_space<vmem>> -> memref<256x128xf32, #tpu.memory_space<vmem>>
          tpu.enqueue_dma source(%dma_start3A_436 : memref<256x128xf32, #tpu.memory_space<vmem>>) target(%dma_start3A_432 : memref<256x128xf32, #tpu.memory_space<hbm>>) target_semaphore(%dma_start3A_430 : memref<!tpu.dma_semaphore, #tpu.memory_space<semaphore_mem>>)
          "tpu.trace_stop"() : () -> ()
        } else {
        }
        %and3A_368 = arith.constant true
        %and3A_369 = arith.andi %or3A_364, %and3A_368 : i1
        %add3A_370 = arith.constant 1 : i32
        %add3A_371 = arith.addi %scan3A_126, %add3A_370 : i32
        %select_n3A_372 = arith.select %and3A_369, %add3A_371, %scan3A_126 : i32
        %ne3A_373 = arith.cmpi ne, %add3A_133, %add3A_142 : i32
        %or3A_374 = arith.constant false
        %or3A_375 = arith.ori %or3A_374, %ne3A_373 : i1
        %or3A_376 = arith.constant false
        %or3A_377 = arith.ori %or3A_375, %or3A_376 : i1
        %not3A_378 = arith.constant true
        %not3A_379 = arith.xori %eq3A_130, %not3A_378 : i1
        %and3A_380 = arith.andi %or3A_377, %not3A_379 : i1
        %convert_element_type3A_381 = arith.extui %and3A_380 : i1 to i32
        %cond3A_382 = arith.constant 0 : i32
        %cond3A_383 = arith.cmpi ne, %convert_element_type3A_381, %cond3A_382 : i32
        scf.if %cond3A_383 {
        } else {
        }
        %and3A_384 = arith.constant false
        %and3A_385 = arith.andi %and3A_380, %and3A_384 : i1
        %ne3A_386 = arith.cmpi ne, %add3A_133, %add3A_142 : i32
        %or3A_387 = arith.constant false
        %or3A_388 = arith.ori %or3A_387, %ne3A_386 : i1
        %or3A_389 = arith.constant false
        %or3A_390 = arith.ori %or3A_388, %or3A_389 : i1
        %not3A_391 = arith.constant true
        %not3A_392 = arith.xori %eq3A_130, %not3A_391 : i1
        %and3A_393 = arith.andi %or3A_390, %not3A_392 : i1
        %convert_element_type3A_394 = arith.extui %and3A_393 : i1 to i32
        %cond3A_395 = arith.constant 0 : i32
        %cond3A_396 = arith.cmpi ne, %convert_element_type3A_394, %cond3A_395 : i32
        scf.if %cond3A_396 {
          "tpu.trace_start"() <{level = 10 : i32, message = "ep_wait_out"}> : () -> ()
          %rem3A_419 = arith.constant 2 : i32
          %rem3A_420 = arith.remui %scan3A_127, %rem3A_419 : i32
          %mul3A_421 = arith.constant 256 : i32
          %mul3A_422 = arith.muli %mul3A_421, %add3A_142 : i32
          %dma_wait3A_423 = arith.constant 0 : i32
          %dma_wait3A_424 = arith.constant 0 : i32
          %dma_wait3A_425 = tpu.memref_slice %run_scoped3A_10[%rem3A_420, %dma_wait3A_423, %dma_wait3A_424] : memref<2x256x128xf32, #tpu.memory_space<vmem>> -> memref<1x256x128xf32, #tpu.memory_space<vmem>>
          %dma_wait3A_426 = tpu.memref_squeeze %dma_wait3A_425 : memref<1x256x128xf32, #tpu.memory_space<vmem>> -> memref<256x128xf32, #tpu.memory_space<vmem>>
          %dma_wait3A_427 = arith.constant 0 : i32
          %dma_wait3A_428 = tpu.memref_slice %arg4[%mul3A_422, %dma_wait3A_427] : memref<819200x128xf32, #tpu.memory_space<hbm>> -> memref<256x128xf32, #tpu.memory_space<hbm>>
          %dma_wait3A_429 = tpu.memref_slice %run_scoped3A_11[%rem3A_420] : memref<2x!tpu.dma_semaphore, #tpu.memory_space<semaphore_mem>> -> memref<1x!tpu.dma_semaphore, #tpu.memory_space<semaphore_mem>>
          %dma_wait3A_430 = tpu.memref_squeeze %dma_wait3A_429 : memref<1x!tpu.dma_semaphore, #tpu.memory_space<semaphore_mem>> -> memref<!tpu.dma_semaphore, #tpu.memory_space<semaphore_mem>>
          %dma_wait3A_431 = arith.constant 0 : i32
          %dma_wait3A_432 = tpu.memref_slice %arg4[%mul3A_422, %dma_wait3A_431] : memref<819200x128xf32, #tpu.memory_space<hbm>> -> memref<256x128xf32, #tpu.memory_space<hbm>>
          %dma_wait3A_433 = arith.constant 0 : i32
          %dma_wait3A_434 = arith.constant 0 : i32
          %dma_wait3A_435 = tpu.memref_slice %run_scoped3A_10[%rem3A_420, %dma_wait3A_433, %dma_wait3A_434] : memref<2x256x128xf32, #tpu.memory_space<vmem>> -> memref<1x256x128xf32, #tpu.memory_space<vmem>>
          %dma_wait3A_436 = tpu.memref_squeeze %dma_wait3A_435 : memref<1x256x128xf32, #tpu.memory_space<vmem>> -> memref<256x128xf32, #tpu.memory_space<vmem>>
          tpu.wait_dma2 semaphore(%dma_wait3A_430 : memref<!tpu.dma_semaphore, #tpu.memory_space<semaphore_mem>>) src(%dma_wait3A_436 : memref<256x128xf32, #tpu.memory_space<vmem>>) dst(%dma_wait3A_432 : memref<256x128xf32, #tpu.memory_space<hbm>>)
          "tpu.trace_stop"() : () -> ()
        } else {
        }
        %and3A_397 = arith.constant true
        %and3A_398 = arith.andi %and3A_393, %and3A_397 : i1
        %add3A_399 = arith.constant 1 : i32
        %add3A_400 = arith.addi %scan3A_127, %add3A_399 : i32
        %select_n3A_401 = arith.select %and3A_398, %add3A_400, %scan3A_127 : i32
        %ne3A_402 = arith.cmpi ne, %add3A_133, %add3A_151 : i32
        %or3A_403 = arith.constant false
        %or3A_404 = arith.ori %or3A_403, %ne3A_402 : i1
        %or3A_405 = arith.constant false
        %or3A_406 = arith.ori %or3A_404, %or3A_405 : i1
        %or3A_407 = arith.ori %or3A_406, %eq3A_132 : i1
        %add3A_408 = arith.constant 1 : i32
        %add3A_409 = arith.addi %scan3A_125, %add3A_408 : i32
        %select_n3A_410 = arith.select %or3A_407, %add3A_409, %scan3A_125 : i32
        %add3A_411 = arith.constant 1 : i32
        %add3A_412 = arith.addi %scan3A_128, %add3A_411 : i32
        %select_n3A_413 = arith.constant true
        %select_n3A_414 = arith.select %select_n3A_413, %add3A_412, %scan3A_128 : i32
        %eq3A_415 = arith.constant 100 : i32
        %eq3A_416 = arith.cmpi eq, %select_n3A_414, %eq3A_415 : i32
        %select_n3A_417 = arith.constant 0 : i32
        %select_n3A_418 = arith.select %eq3A_416, %select_n3A_417, %select_n3A_414 : i32
        scf.yield %select_n3A_171, %select_n3A_410, %select_n3A_372, %select_n3A_401, %select_n3A_418 : i32, i32, i32, i32, i32
      }
      %scan3A_70 = arith.constant 100 : i32
      %sub3A = arith.constant 1 : i32
      %sub3A_71 = arith.subi %scan3A_69#4, %sub3A : i32
      %select_n3A_72 = arith.constant true
      %select_n3A_73 = arith.select %select_n3A_72, %sub3A_71, %scan3A_69#4 : i32
      %eq3A_74 = arith.constant -1 : i32
      %eq3A_75 = arith.cmpi eq, %select_n3A_73, %eq3A_74 : i32
      %select_n3A_76 = arith.constant 99 : i32
      %select_n3A_77 = arith.select %eq3A_75, %select_n3A_76, %select_n3A_73 : i32
      %add3A_78 = arith.addi %select_n3A_77, %mul3A_8 : i32
      %sub3A_79 = arith.constant 1 : i32
      %sub3A_80 = arith.subi %select_n3A_77, %sub3A_79 : i32
      %select_n3A_81 = arith.constant true
      %select_n3A_82 = arith.select %select_n3A_81, %sub3A_80, %select_n3A_77 : i32
      %eq3A_83 = arith.constant -1 : i32
      %eq3A_84 = arith.cmpi eq, %select_n3A_82, %eq3A_83 : i32
      %select_n3A_85 = arith.constant 99 : i32
      %select_n3A_86 = arith.select %eq3A_84, %select_n3A_85, %select_n3A_82 : i32
      %add3A_87 = arith.addi %select_n3A_86, %mul3A_8 : i32
      %add3A_88 = arith.constant 1 : i32
      %add3A_89 = arith.addi %select_n3A_77, %add3A_88 : i32
      %select_n3A_90 = arith.constant true
      %select_n3A_91 = arith.select %select_n3A_90, %add3A_89, %select_n3A_77 : i32
      %eq3A_92 = arith.constant 100 : i32
      %eq3A_93 = arith.cmpi eq, %select_n3A_91, %eq3A_92 : i32
      %select_n3A_94 = arith.constant 0 : i32
      %select_n3A_95 = arith.select %eq3A_93, %select_n3A_94, %select_n3A_91 : i32
      %add3A_96 = arith.addi %select_n3A_95, %mul3A_8 : i32
      %add3A_97 = arith.constant 1 : i32
      %add3A_98 = arith.addi %select_n3A_95, %add3A_97 : i32
      %select_n3A_99 = arith.constant true
      %select_n3A_100 = arith.select %select_n3A_99, %add3A_98, %select_n3A_95 : i32
      %eq3A_101 = arith.constant 100 : i32
      %eq3A_102 = arith.cmpi eq, %select_n3A_100, %eq3A_101 : i32
      %select_n3A_103 = arith.constant 0 : i32
      %select_n3A_104 = arith.select %eq3A_102, %select_n3A_103, %select_n3A_100 : i32
      %add3A_105 = arith.addi %select_n3A_104, %mul3A_8 : i32
      "tpu.trace_start"() <{level = 10 : i32, message = "ep_finalize"}> : () -> ()
      %rem3A_106 = arith.constant 2 : i32
      %rem3A_107 = arith.remui %scan3A_69#3, %rem3A_106 : i32
      %mul3A_108 = arith.constant 256 : i32
      %mul3A_109 = arith.muli %mul3A_108, %add3A_78 : i32
      %dma_wait3A = arith.constant 0 : i32
      %dma_wait3A_110 = arith.constant 0 : i32
      %dma_wait3A_111 = tpu.memref_slice %run_scoped3A_10[%rem3A_107, %dma_wait3A, %dma_wait3A_110] : memref<2x256x128xf32, #tpu.memory_space<vmem>> -> memref<1x256x128xf32, #tpu.memory_space<vmem>>
      %dma_wait3A_112 = tpu.memref_squeeze %dma_wait3A_111 : memref<1x256x128xf32, #tpu.memory_space<vmem>> -> memref<256x128xf32, #tpu.memory_space<vmem>>
      %dma_wait3A_113 = arith.constant 0 : i32
      %dma_wait3A_114 = tpu.memref_slice %arg4[%mul3A_109, %dma_wait3A_113] : memref<819200x128xf32, #tpu.memory_space<hbm>> -> memref<256x128xf32, #tpu.memory_space<hbm>>
      %dma_wait3A_115 = tpu.memref_slice %run_scoped3A_11[%rem3A_107] : memref<2x!tpu.dma_semaphore, #tpu.memory_space<semaphore_mem>> -> memref<1x!tpu.dma_semaphore, #tpu.memory_space<semaphore_mem>>
      %dma_wait3A_116 = tpu.memref_squeeze %dma_wait3A_115 : memref<1x!tpu.dma_semaphore, #tpu.memory_space<semaphore_mem>> -> memref<!tpu.dma_semaphore, #tpu.memory_space<semaphore_mem>>
      %dma_wait3A_117 = arith.constant 0 : i32
      %dma_wait3A_118 = tpu.memref_slice %arg4[%mul3A_109, %dma_wait3A_117] : memref<819200x128xf32, #tpu.memory_space<hbm>> -> memref<256x128xf32, #tpu.memory_space<hbm>>
      %dma_wait3A_119 = arith.constant 0 : i32
      %dma_wait3A_120 = arith.constant 0 : i32
      %dma_wait3A_121 = tpu.memref_slice %run_scoped3A_10[%rem3A_107, %dma_wait3A_119, %dma_wait3A_120] : memref<2x256x128xf32, #tpu.memory_space<vmem>> -> memref<1x256x128xf32, #tpu.memory_space<vmem>>
      %dma_wait3A_122 = tpu.memref_squeeze %dma_wait3A_121 : memref<1x256x128xf32, #tpu.memory_space<vmem>> -> memref<256x128xf32, #tpu.memory_space<vmem>>
      tpu.wait_dma2 semaphore(%dma_wait3A_116 : memref<!tpu.dma_semaphore, #tpu.memory_space<semaphore_mem>>) src(%dma_wait3A_122 : memref<256x128xf32, #tpu.memory_space<vmem>>) dst(%dma_wait3A_118 : memref<256x128xf32, #tpu.memory_space<hbm>>)
      "tpu.trace_stop"() : () -> ()
      tpu.yield
    }) : () -> ()
    return
  }
}

module attributes {stable_mosaic.version = 14 : i64} {
  func.func @_project_body(%arg0: memref<1000x30xf32, #tpu.memory_space<vmem>>, %arg1: memref<30x128xf32, #tpu.memory_space<vmem>>, %arg2: memref<1024x128xf32, #tpu.memory_space<vmem>>) attributes {dimension_semantics = [], scalar_prefetch = 0 : i64, scratch_operands = 0 : i64, tpu.core_type = #tpu.core_type<tc>} {
    %get3A = arith.constant 0 : index
    %get3A_0 = arith.constant 0 : index
    %get3A_1 = vector.load %arg0[%get3A, %get3A_0] : memref<1000x30xf32, #tpu.memory_space<vmem>>, vector<1000x30xf32>
    %get3A_2 = arith.constant 0 : index
    %get3A_3 = arith.constant 0 : index
    %get3A_4 = vector.load %arg1[%get3A_2, %get3A_3] : memref<30x128xf32, #tpu.memory_space<vmem>>, vector<30x128xf32>
    %dot_general3A = arith.constant dense<0.000000e+00> : vector<1000x128xf32>
    %dot_general3A_5 = tpu.matmul %get3A_1, %get3A_4, %dot_general3A {dimension_numbers = #tpu.dot_dimension_numbers<[1], [0], [0], [1], [0, 0, 1, 1], [], []>, transpose_lhs_hint = false} : vector<1000x30xf32>, vector<30x128xf32>, vector<1000x128xf32> -> vector<1000x128xf32>
    %swap3A = arith.constant 0 : index
    %swap3A_6 = arith.constant 0 : index
    %swap3A_7 = vector.load %arg2[%swap3A, %swap3A_6] : memref<1024x128xf32, #tpu.memory_space<vmem>>, vector<1000x128xf32>
    tpu.vector_store %arg2[%swap3A, %swap3A_6], %dot_general3A_5 {strides = array<i32>} : memref<1024x128xf32, #tpu.memory_space<vmem>>, vector<1000x128xf32>,
    return
  }
}

</mosaic_0001>

<sc_bundles>
// kernel: kernel.4.cloned.1.call-start
scs
__scs_entry_jumppad:
0x0: {  	(pc) =	sbr.rel $0x88, $3  }
0x1: {  	(tag) =	ssettag $0x0;
	lr =	simm.s32 $0x1  }
0x2: {  	[smem:$0x3F9E] =	sst lr;
	_ =	strace $0xD0000000  }
0x3: {  	_ = 	snop  }
0x4: {  	_ = 	snop  }
0x5: {  	_ = 	snop  }
0x6: {  	_ = 	snop  }
0x7: {  	_ = 	snop  }
__scs_overlays_trampoline_lowered:
0x8: {  	[smem:$0x3FAD] =	sst s0  }
0x9: {  	[smem:$0x3FAE] =	sst s1  }
0xa: {  	[smem:$0x3FAF] =	sst s2  }
0xb: {  	[smem:$0x3FB0] =	sst s3  }
0xc: {  	[smem:$0x3FB1] =	sst s4  }
0xd: {  	[smem:$0x3FB2] =	sst s5  }
0xe: {  	[smem:$0x3FB3] =	sst s6  }
0xf: {  	[smem:$0x3FB4] =	sst s7  }
0x10: {  	[smem:$0x3FB5] =	sst s8  }
0x11: {  	[smem:$0x3FB6] =	sst s9;
	s0 =	simm.s32 @!p0 $0x0  }
0x12: {  	s1 =	sld [smem:$0x3F9C];
	s0 =	simm.s32 @p0 $0x1  }
0x13: {  	[smem:$0x3FB7] =	sst s0;
	s0 =	simm.s32 @!p1 $0x0  }
0x14: {  	s2 =	sld [smem:$0x3F9B];
	s0 =	simm.s32 @p1 $0x1  }
0x15: {  	[smem:$0x3FB8] =	sst s0;
	s0 =	simm.s32 @!p2 $0x0  }
0x16: {  	s3 =	sld [smem:$0x3FDB];
	s0 =	simm.s32 @p2 $0x1  }
0x17: {  	s4 =	simm.s32 $0x1BF5;
	[smem:$0x3FBA] =	sst s0  }
0x18: {  	s0 =	sld [smem:$0x3F9D];
	_ =	swait.ge [sflag:s4], $0x0  }
0x19: {  	s7 =	sld [smem:$0x3F9E]  }
0x1a: {  	s8 =	sadd.s32 $0xFFFFE003, lr  }
0x1b: {  	s9 =	sadd.s32 $0xFFFFFEF7, lr;
	s5 =	simm.s32 $0xFFFFFFFF;
	p2 =	slt.u32 s8, $0xFFFFF086  }
0x1c: {  	p1 =	slt.u32 s9, $0xF7A;
	s5 =	simm.s32 @!p2 $0x0  }
0x1d: {  	s5 =	simm.s32 @p1 $0x1;
	p0 =	seq.s32 s7, s2  }
0x1e: {  	s7 =	smul.u32 @!p0 $0xF7A, s2;
	p2 =	seq.s32 @!p0 s5, $0x0  }
0x1f: {  	s9 =	smul.u32 $0xF7A, s1;
	s8 =	simm.s32 @!p0 $0x1BF5;
	p2 =	por !p2, p0  }
0x20: {  	[sflag:s8] =	ssyncset.s32 @!p0 $0xFFFFF086;
	s6 =	sadd.s32 @!p0 s3, s7;
	s7 =	simm.s32 @!p0 $0x108  }
0x21: {  	s3 =	sadd.s32 s3, s9;
	s6 =	sadd.s32 @!p0 $0x88, s6;
	s7 =	simm.s32 @p2 $0x1082  }
0x22: {  	[simem:s7], [sflag:s8] =	dma.local @!p0 [hbm:s6], $0xF7A  }
0x23: {  	s9 =	sor.u32 $0xD0000000, s2;
	s6 =	simm.s32 $0x108;
	_ =	swait.ge @!p0 [sflag:s8], $0x0  }
0x24: {  	s3 =	sadd.s32 $0x88, s3;
	s6 =	simm.s32 @!p1 $0x1082;
	[sflag:s4] =	ssyncset.s32 $0xFFFFF086  }
0x25: {  	[simem:s6], [sflag:s4] =	dma.local [hbm:s3], $0xF7A  }
0x26: {  	[smem:$0x3F9E] =	sst s1;
	(tag) =	ssettag s2;
	_ =	strace s9  }
0x27: {  	s1 =	sld [smem:$0x3FAE]  }
0x28: {  	s2 =	sld [smem:$0x3FAF]  }
0x29: {  	s4 =	sld [smem:$0x3FB1]  }
0x2a: {  	p0 =	seq.s32 s5, $0x0;
	s5 =	sld [smem:$0x3FB2]  }
0x2b: {  	s6 =	sld [smem:$0x3FB3]  }
0x2c: {  	s7 =	sld [smem:$0x3FB4]  }
0x2d: {  	s3 =	simm.s32 $0x108;
	s8 =	sld [smem:$0x3FB5]  }
0x2e: {  	s3 =	simm.s32 @!p0 $0x1082;
	s9 =	sld [smem:$0x3FB6]  }
0x2f: {  	lr =	sadd.s32 s0, s3;
	s0 =	sld [smem:$0x3FAD]  }
0x30: {  	s3 =	sld [smem:$0x3FB0]  }
0x31: {  	[smem:$0x3FB9] =	sst s10  }
0x32: {  	s10 =	sld [smem:$0x3FB7];
	_ =	sdelay $0x3  }
0x33: {  	p0 =	seq.s32 s10, $0x1;
	s10 =	sld [smem:$0x3FB9];
	_ =	sdelay $0x3  }
0x34: {  	[smem:$0x3FB9] =	sst s10  }
0x35: {  	s10 =	sld [smem:$0x3FB8];
	_ =	sdelay $0x3  }
0x36: {  	p1 =	seq.s32 s10, $0x1;
	s10 =	sld [smem:$0x3FB9];
	_ =	sdelay $0x3  }
0x37: {  	[smem:$0x3FB9] =	sst s10  }
0x38: {  	s10 =	sld [smem:$0x3FBA]  }
0x39: {  	_ = 	snop;
	(pc) =	sbr.ind lr, $3  }
0x3a: {  	_ = 	snop  }
0x3b: {  	_ = 	snop  }
0x3c: {  	p2 =	seq.s32 s10, $0x1;
	s10 =	sld [smem:$0x3FB9]  }
0x3d: {  	_ =	shalt  }
0x3e: {  	_ =	shalt  }
0x3f: {  	_ =	shalt  }
0x40: {  	_ =	shalt  }
0x41: {  	_ =	shalt  }
0x42: {  	_ =	shalt  }
0x43: {  	_ =	shalt  }
0x44: {  	_ =	shalt  }
0x45: {  	_ =	shalt  }
0x46: {  	_ =	shalt  }
0x47: {  	_ =	shalt  }
0x48: {  	_ =	shalt  }
0x49: {  	_ =	shalt  }
0x4a: {  	_ =	shalt  }
0x4b: {  	_ =	shalt  }
0x4c: {  	_ =	shalt  }
0x4d: {  	_ =	shalt  }
0x4e: {  	_ =	shalt  }
0x4f: {  	_ =	shalt  }
0x50: {  	_ =	shalt  }
0x51: {  	_ =	shalt  }
0x52: {  	_ =	shalt  }
0x53: {  	_ =	shalt  }
0x54: {  	_ =	shalt  }
0x55: {  	_ =	shalt  }
0x56: {  	_ =	shalt  }
0x57: {  	_ =	shalt  }
0x58: {  	_ =	shalt  }
0x59: {  	_ =	shalt  }
0x5a: {  	_ =	shalt  }
0x5b: {  	_ =	shalt  }
0x5c: {  	_ =	shalt  }
0x5d: {  	_ =	shalt  }
0x5e: {  	_ =	shalt  }
0x5f: {  	_ =	shalt  }
0x60: {  	_ =	shalt  }
0x61: {  	_ =	shalt  }
0x62: {  	_ =	shalt  }
0x63: {  	_ =	shalt  }
0x64: {  	_ =	shalt  }
0x65: {  	_ =	shalt  }
0x66: {  	_ =	shalt  }
0x67: {  	_ =	shalt  }
0x68: {  	_ =	shalt  }
0x69: {  	_ =	shalt  }
0x6a: {  	_ =	shalt  }
0x6b: {  	_ =	shalt  }
0x6c: {  	_ =	shalt  }
0x6d: {  	_ =	shalt  }
0x6e: {  	_ =	shalt  }
0x6f: {  	_ =	shalt  }
0x70: {  	_ =	shalt  }
0x71: {  	_ =	shalt  }
0x72: {  	_ =	shalt  }
0x73: {  	_ =	shalt  }
0x74: {  	_ =	shalt  }
0x75: {  	_ =	shalt  }
0x76: {  	_ =	shalt  }
0x77: {  	_ =	shalt  }
0x78: {  	_ =	shalt  }
0x79: {  	_ =	shalt  }
0x7a: {  	_ =	shalt  }
0x7b: {  	_ =	shalt  }
0x7c: {  	_ =	shalt  }
0x7d: {  	_ =	shalt  }
0x7e: {  	_ =	shalt  }
0x7f: {  	_ =	shalt  }
0x80: {  	_ =	shalt  }
0x81: {  	_ =	shalt  }
0x82: {  	_ =	shalt  }
0x83: {  	_ =	shalt  }
0x84: {  	_ =	shalt  }
0x85: {  	_ =	shalt  }
0x86: {  	_ =	shalt  }
0x87: {  	_ =	shalt  }
.Lfunc_end0:
.L_simem_size_0:
called_computation_lowered:
.L_overlay_start_0:
0x88: {  	s2 =	sld [smem:$0x3FD9]  }
0x89: {  	s3 =	sld [smem:$0x3FFE];
	_ =	sdelay $0x1  }
0x8a: {  	s1 =	srdreg.scid  }
0x8b: {  	s0 =	sand.u32 $0x1, s1  }
0x8c: {  	s17 =	sshll.u32 s0, $0xA;
	s2 =	sadd.s32 s3, s2  }
0x8d: {  	s2 =	sadd.s32 s2, s17  }
0x8e: {  	[smem:$0x3FC5] =	sst s2  }
0x8f: {  	_ = 	snop  }
0x90: {  	s2 =	sld [smem:$0x3FD0];
	(tm) =	ssettm $0x1  }
0x91: {  	s18 =	sld [smem:$0x3FFB];
	_ =	sdelay $0x3  }
0x92: {  	_ =	strace s18  }
0x93: {  	s3 =	sld [smem:$0x3FFC];
	_ =	sdelay $0x3  }
0x94: {  	_ =	strace s3  }
0x95: {  	s3 =	sld [smem:$0x3FFD];
	_ =	sdelay $0x3  }
0x96: {  	_ =	strace s3  }
0x97: {  	_ =	strace $0x8FFFFFFF  }
0x98: {  	s19 =	sld [smem:$0x3FDB];
	_ =	sdelay $0x1  }
0x99: {  	s4 =	simm.s32 $_scs_section_size  }
0x9a: {  	s5 =	simm.s32 $_size__tile_overlayer_lowered;
	s6 =	simm.s32 $_tile_overlayer_lowered  }
0x9b: {  	s22 =	simm.s32 $0x1BFF;
	s21 =	sshll.u32 s6, $0x1;
	s3 =	sadd.s32 s4, s19  }
0x9c: {  	s7 =	simm.s32 $0x0;
	s20 =	sshll.u32 s5, $0x1;
	s5 =	sadd.s32 s21, s3  }
0x9d: {  	[timem:s7], [sflag:s22] =	dma.local [hbm:s5], s20  }
0x9e: {  	_ =	swait.ge [sflag:s22], s20  }
0x9f: {  	s4 =	ssub.s32 $0x0, s20;
	[sflag:s22] =	ssyncset.done $0x0  }
0xa0: {  	[sflag:s22] =	ssyncadd.s32 s4;
	_ =	sdelay $0x1  }
0xa1: {  	s23 =	simm.s32 $0x1B8B  }
0xa2: {  	_ =	swait.ge [sflag:s23], $0x1  }
0xa3: {  	[sflag:s23] =	ssyncset.done $0x0  }
0xa4: {  	s25 =	simm.s32 $0x1B8E;
	s24 =	sld [smem:$0x3FFE];
	[sflag:s23] =	ssyncadd.s32 $0xFFFFFFFF  }
0xa5: {  	s26 =	simm.s32 $execute0_lowered;
	[smem:$0x3FD2] =	sst s25  }
0xa6: {  	s5 =	sshll.u32 s26, $0x1;
	_ =	strace $0x80000046;
	[dreg:$0x1] =	wrdreg $0xFFFFFFFF  }
0xa7: {  	s28 =	simm.s32 $_size_execute0_lowered;
	s3 =	sadd.s32 s3, s5;
	[dreg:$0x0] =	wrdreg $0x0  }
0xa8: {  	s5 =	sshll.u32 s28, $0x1;
	[dreg:$0x2] =	wrdreg s3  }
0xa9: {  	[dreg:$0x3] =	wrdreg s5  }
0xaa: {  	[dreg:$0x4] =	wrdreg $0xC0  }
0xab: {  	_ =	task [dreg:s7], $0x5FFFF  }
0xac: {  	[dreg:$0x1] =	wrdreg $0xFFFFFFFF  }
0xad: {  	[dreg:$0x0] =	wrdreg $0x60  }
0xae: {  	[dreg:$0x2] =	wrdreg s24  }
0xaf: {  	[dreg:$0x3] =	wrdreg s2  }
0xb0: {  	[dreg:$0x4] =	wrdreg $0x0  }
0xb1: {  	[dreg:$0x5] =	wrdreg $0x9  }
0xb2: {  	_ =	task.clear_ibuf [dreg:s7], $0x6FFFF;
	_ =	strace $0x90000046  }
0xb3: {  	s29 =	simm.s32 $0x9;
	_ =	strace $0x8000004F  }
0xb4: {  	_ =	swait.ge [sflag:s29], $0x1  }
0xb5: {  	[sflag:s29] =	ssyncadd.s32 $0xFFFFFFFF  }
0xb6: {  	_ =	strace $0x9000004F  }
0xb7: {  	_ =	sfence  }
0xb8: {  	s30 =	sld [smem:$0x0];
	_ =	sdelay $0x2  }
0xb9: {  	s31 =	sshll.u32 s1, $0xD;
	s1 =	sshrl.u32 s1, $0x2  }
0xba: {  	s3 =	sand.u32 $0x4000, s31;
	s1 =	sadd.s32 s1, s30  }
0xbb: {  	s0 =	sor.u32 s3, s0;
	s1 =	sshll.u32 s1, $0x11  }
0xbc: {  	s0 =	sor.u32 s1, s0  }
0xbd: {  	s0 =	sadd.s32 $0x8F2B, s0  }
0xbe: {  	[sflag:s0] =	ssyncadd.remote.s32 $0x1  }
0xbf: {  	_ =	sfence.sel $0xFFFF  }
0xc0: {  	[dreg:$0x0] =	wrdreg $0xFFFFFFFF;
	(pc) =	sbr.abs _section_cstart, $3  }
0xc1: {  	[dreg:$0x1] =	wrdreg $0xFFFFFFFF  }
0xc2: {  	_ =	task.clear_ibuf [dreg:s7], $0x2FFFF;
	_ =	strace $0x9FFFFFFF  }
0xc3: {  	(tm) =	ssettm $0x7FFFFFFF  }
tec
execute0_lowered:
.L_overlay_start_1:
0x0: {  	(tag) =	ssettag $0x1  }
0x1: {  	s0 =	rddreg [dreg:$0x0]  }
0x2: {  	s1 =	rddreg [dreg:$0x1]  }
0x3: {  	s2 =	rddreg [dreg:$0x2];
	s3 =	simm.s32 $0x0;
	s7 =	stileid.u32  }
0x4: {  	s25 =	srdreg.scid;
	s11 =	simm.s32 $0x5;
	s13 =	simm.s32 $0x1  }
0x5: {  	s14 =	simm.s32 $0x40;
	s15 =	simm.s32 $0x2;
	[dreg:$0x4] =	wrdreg s1  }
0x6: {  	s16 =	simm.s32 $0x3;
	[smem:$0x7FF] =	sst s3;
	s4 =	sshll.u32 s7, $0xA  }
0x7: {  	s1 =	sand.u32 $0x1, s25;
	s28 =	sshll.u32 s7, $0xD;
	_ =	strace $0x80000047  }
0x8: {  	s5 =	sadd.s32 s4, s0;
	s6 =	ssub.s32 $0x2, s1;
	s1 =	sshll.u32 s1, $0x4  }
0x9: {  	s4 =	sadd.s32 $0x800, s0;
	s26 =	sshrl.u32 s6, $0x1;
	s1 =	sor.u32 s7, s1  }
0xa: {  	s7 =	sshll.u32 s7, $0x6;
	s5 =	sadd.s32 $0x32800, s5;
	s0 =	ssub.s32 s6, s26  }
0xb: {  	s6 =	sadd.s32 s28, s2;
	[dreg:$0x5] =	wrdreg s5;
	s29 =	sor.u32 $0x1C05, s7  }
0xc: {  	s8 =	smul.u32 $0x1900, s1;
	[dreg:$0x6] =	wrdreg s29;
	s0 =	smax.u32 s0, $0x1  }
0xd: {  	s17 =	simm.s32 $0x4;
	s31 =	sshrl.u32 s6, $0x3;
	[dreg:$0x8] =	wrdreg s0  }
0xe: {  	s18 =	simm.s32 $0x8;
	s30 =	sadd.s32 s4, s8;
	[dreg:$0x9] =	wrdreg s31  }
0xf: {  	s19 =	simm.s32 $0x0;
	s7 =	smul.u32 $0x64, s1;
	[dreg:$0x7] =	wrdreg s30  }
.LBB2_1:
0x10: {  	s0 =	rddreg [dreg:$0x5]  }
0x11: {  	s1 =	rddreg [dreg:$0x6]  }
0x12: {  	s5 =	rddreg [dreg:$0x9];
	s20 =	simm.s32 $0x1;
	p0 =	por $0x0, $0x0  }
0x13: {  	[spmem:s5], [sflag:s1] =	dma.local [hbm:s0], $0x400  }
0x14: {  	s20 =	simm.s32 @p0 $0x0  }
0x15: {  	p1 =	por $0x1, $0x1;
	_ =	swait.ge [sflag:s11], $0x400;
	p0 =	sne.s32 s20, $0x0  }
0x16: {  	[sflag:s11] =	ssyncset.done $0x0;
	p1 =	por !p1, !p0  }
0x17: {  	[sflag:s11] =	ssyncadd.s32 $0xFFFFFC00;
	p1 =	por !p1, !p1  }
0x18: {  	s8 =	simm.s32 $0x2000;
	[bflag:$0x0] =	sbarrier.arrive $0xFFFF;
	s0 =	sadd.s32 @p1 s7, s20  }
0x19: {  	s1 =	sshll.u32 @p1 s20, $0x9;
	_ =	strace $0x80000048;
	s0 =	sshll.u32 @p1 s0, $0x9  }
0x1a: {  	s1 =	sand.u32 @p1 $0x200, s1;
	s6 =	rddreg [dreg:$0x7];
	s0 =	sand.u32 @p1 $0xFFFFFC00, s0  }
0x1b: {  	[tilespmem:s8], [sflag:$0x5] =	stream.linear.gather [hbm4b:s6+s3], $0x200, $0x200038;
	[tilespmem:$0x12400] =	vst v63  }
0x1c: {  	s0 =	sor.u32 @p1 s1, s0  }
0x1d: {  	s1 =	sand.u32 @p1 $0x1, s13;
	s6 =	simm.s32 @p1 $0x0;
	_ =	strace $0x90000048  }
0x1e: {  	s0 =	sshrl.u32 @p1 s0, $0x3;
	s5 =	sshll.u32 @p1 s1, $0x9;
	s1 =	sadd.s32 @p1 $0x5, s1  }
0x1f: {  	s0 =	sadd.s32 @p1 s4, s0;
	s5 =	sor.u32 @p1 $0x2000, s5;
	_ =	strace @p1 $0x80000049  }
0x20: {  	[tilespmem:s5], [sflag:s1] =	stream.linear.gather @p1 [hbm4b:s0+s6], $0x200, $0x200038;
	[tilespmem:$0x12400] =	vst v63  }
0x21: {  	s29 =	sand.u32 $0x1, s3;
	_ =	strace @p1 $0x90000049  }
0x22: {  	s9 =	sadd.s32 $0x5, s29;
	_ =	strace $0x8000004A  }
0x23: {  	_ =	swait.ge [sflag:s9], $0x200  }
0x24: {  	[sflag:s9] =	ssyncset.done $0x0  }
0x25: {  	s10 =	simm.s32 $0x0;
	p5 =	por $0x0, $0x0;
	[sflag:s9] =	ssyncadd.s32 $0xFFFFFE00  }
0x26: {  	s12 =	sand.u32 $0x200, s10;
	s21 =	sshll.u32 s29, $0xF;
	_ =	strace $0x9000004A  }
0x27: {  	s30 =	sor.u32 $0x2400, s21;
	s22 =	sor.u32 $0x2000, s12;
	_ =	strace $0x8000004B  }
0x28: {  	[tilespmem:s30], [sflag:$0x1] =	stream.indirect.gather [spmem:s2], $0x80, s22, s14, $0x2000b8;
	[tilespmem:$0x12400] =	vst v63  }
0x29: {  	p4 =	por $0x0, $0x0;
	s23 =	sor.u32 $0x4400, s21;
	s24 =	sor.u32 $0x2080, s12  }
0x2a: {  	[tilespmem:s23], [sflag:$0x2] =	stream.indirect.gather [spmem:s2], $0x80, s24, s14, $0x2000b8;
	[tilespmem:$0x12400] =	vst v63  }
0x2b: {  	s31 =	simm.s32 $0x1;
	s25 =	sor.u32 $0x6400, s21;
	s26 =	sor.u32 $0x2100, s12  }
0x2c: {  	[tilespmem:s25], [sflag:$0x3] =	stream.indirect.gather [spmem:s2], $0x80, s26, s14, $0x2000b8;
	[tilespmem:$0x12400] =	vst v63  }
0x2d: {  	p6 =	por $0x1, $0x1;
	s1 =	sadd.s32 $0x8400, s21;
	s0 =	sor.u32 $0x2180, s12  }
0x2e: {  	[tilespmem:s1], [sflag:$0x4] =	stream.indirect.gather [spmem:s2], $0x80, s0, s14, $0x2000b8;
	[tilespmem:$0x12400] =	vst v63  }
0x2f: {  	s28 =	simm.s32 $0x0;
	s31 =	simm.s32 @!p4 $0x0;
	_ =	swait.ge [sflag:s13], $0x2000  }
0x30: {  	p3 =	por p0, p0;
	p0 =	por $0x1, $0x1;
	[sflag:s13] =	ssyncset.done $0x0  }
0x31: {  	p5 =	por p5, p3;
	s21 =	simm.s32 $0x63;
	[sflag:s13] =	ssyncadd.s32 $0xFFFFE000  }
0x32: {  	s12 =	sadd.s32 $0x0, s7;
	s22 =	simm.s32 $0x0;
	_ =	swait.ge [sflag:s15], $0x2000  }
0x33: {  	s23 =	simm.s32 $0x62;
	s26 =	sadd.s32 $0x1, s20;
	[sflag:s15] =	ssyncset.done $0x0  }
0x34: {  	p2 =	seq.s32 s26, $0x64;
	s0 =	simm.s32 $0x1;
	[sflag:s15] =	ssyncadd.s32 $0xFFFFE000  }
0x35: {  	s26 =	simm.s32 @p2 $0x0;
	s1 =	simm.s32 $0x1;
	_ =	swait.ge [sflag:s16], $0x2000  }
0x36: {  	s0 =	simm.s32 @!p1 $0x0;
	p2 =	sne.s32 s20, s26;
	[sflag:s16] =	ssyncset.done $0x0  }
0x37: {  	s1 =	simm.s32 @!p5 $0x0;
	s24 =	sadd.s32 $0x1, s0;
	[sflag:s16] =	ssyncadd.s32 $0xFFFFE000  }
0x38: {  	s0 =	sand.u32 @!p0 $0x1, s3;
	p0 =	por p0, p0;
	_ =	swait.ge [sflag:s17], $0x2000  }
0x39: {  	p4 =	por !p6, !p2;
	s25 =	sadd.s32 $0x0, s1;
	[sflag:s17] =	ssyncset.done $0x0  }
0x3a: {  	s0 =	sadd.s32 @!p0 $0x7, s0;
	p3 =	por !p4, !p4;
	[sflag:s17] =	ssyncadd.s32 $0xFFFFE000  }
0x3b: {  	s5 =	sadd.s32 @p3 s7, s26;
	s6 =	sshll.u32 @p3 s26, $0x9;
	_ =	strace $0x9000004B  }
0x3c: {  	s5 =	sshll.u32 @p3 s5, $0x9;
	s6 =	sand.u32 @p3 $0x200, s6;
	_ =	strace @p5 $0x8000004C  }
0x3d: {  	s9 =	sand.u32 @p3 $0xFFFFFC00, s5;
	s5 =	sand.u32 @p3 $0x1, s24;
	s8 =	rddreg [dreg:$0x4]  }
.LBB2_2:
0x3e: {  	s6 =	sor.u32 @p3 s6, s9;
	s9 =	sshll.u32 @p5 s12, $0xC  }
0x3f: {  	s12 =	smov.u32 s20;
	s9 =	sand.u32 @p5 $0x1FFFF000, s9  }
0x40: {  	s20 =	sadd.s32 @p5 $0x7, s29;
	s8 =	sadd.s32 @p5 s8, s9;
	s9 =	simm.s32 @p5 $0x0  }
0x41: {  	[hbm4b:s8+s9] =	stream.linear.scatter @p5 [tilespmem:s30], [sflag:s20], $0x8000, $0x200038;
	[tilespmem:$0x12400] =	vst v63  }
0x42: {  	_ =	strace @p5 $0x9000004C  }
0x43: {  	s6 =	sshrl.u32 @p3 s6, $0x3;
	_ =	strace @!p0 $0x8000004D  }
0x44: {  	s6 =	sadd.s32 @p3 s4, s6;
	s9 =	simm.s32 $0x1;
	_ =	swait.ge @!p0 [sflag:s0], $0x8000  }
0x45: {  	s20 =	sshll.u32 s25, $0x9;
	s9 =	simm.s32 @!p3 $0x0;
	[sflag:s0] =	ssyncset.done @!p0 $0x0  }
0x46: {  	s8 =	sand.u32 $0x200, s20;
	s20 =	simm.s32 @p3 $0x0;
	[sflag:s0] =	ssyncadd.s32 @!p0 $0xFFFF8000  }
0x47: {  	s24 =	sadd.s32 s9, s24;
	s9 =	sshll.u32 @p3 s5, $0x9;
	_ =	strace @!p0 $0x9000004D  }
0x48: {  	s5 =	sadd.s32 @p3 $0x5, s5;
	s0 =	sor.u32 @p3 $0x2000, s9;
	_ =	strace @p3 $0x80000049  }
0x49: {  	[tilespmem:s0], [sflag:s5] =	stream.linear.gather @p3 [hbm4b:s6+s20], $0x200, $0x200038;
	[tilespmem:$0x12400] =	vst v63  }
0x4a: {  	s10 =	sand.u32 $0x1, s25;
	_ =	strace @p3 $0x90000049  }
0x4b: {  	s6 =	sadd.s32 $0x5, s10;
	_ =	strace $0x8000004A  }
0x4c: {  	_ =	swait.ge [sflag:s6], $0x200  }
0x4d: {  	s28 =	sadd.s32 s1, s28;
	[sflag:s6] =	ssyncset.done $0x0  }
0x4e: {  	s29 =	sand.u32 $0x1, s28;
	[sflag:s6] =	ssyncadd.s32 $0xFFFFFE00  }
0x4f: {  	s1 =	smov.u32 s21;
	s0 =	sshll.u32 s29, $0xF;
	_ =	strace $0x9000004A  }
0x50: {  	s10 =	sor.u32 $0x2000, s8;
	s30 =	sor.u32 $0x2400, s0;
	_ =	strace $0x8000004B  }
0x51: {  	[tilespmem:s30], [sflag:$0x1] =	stream.indirect.gather [spmem:s2], $0x80, s10, s14, $0x2000b8;
	[tilespmem:$0x12400] =	vst v63  }
0x52: {  	s21 =	smov.u32 s23;
	s6 =	sor.u32 $0x4400, s0;
	s10 =	sor.u32 $0x2080, s8  }
0x53: {  	[tilespmem:s6], [sflag:$0x2] =	stream.indirect.gather [spmem:s2], $0x80, s10, s14, $0x2000b8;
	[tilespmem:$0x12400] =	vst v63  }
0x54: {  	p1 =	por p2, p2;
	s6 =	sor.u32 $0x6400, s0;
	s10 =	sor.u32 $0x2100, s8  }
0x55: {  	[tilespmem:s6], [sflag:$0x3] =	stream.indirect.gather [spmem:s2], $0x80, s10, s14, $0x2000b8;
	[tilespmem:$0x12400] =	vst v63  }
0x56: {  	s23 =	sadd.s32 $0xFFFFFFFF, s23;
	s0 =	sadd.s32 $0x8400, s0;
	s10 =	sor.u32 $0x2180, s8  }
0x57: {  	[tilespmem:s0], [sflag:$0x4] =	stream.indirect.gather [spmem:s2], $0x80, s10, s14, $0x2000b8;
	[tilespmem:$0x12400] =	vst v63  }
0x58: {  	s22 =	sadd.s32 s31, s22;
	s31 =	simm.s32 $0x1;
	_ =	swait.ge [sflag:s13], $0x2000  }
0x59: {  	p2 =	seq.s32 s1, $0x64;
	p4 =	sne.s32 s23, $0x0;
	[sflag:s13] =	ssyncset.done $0x0  }
0x5a: {  	s12 =	sadd.s32 s7, s12;
	p5 =	sne.s32 s1, $0x64;
	[sflag:s13] =	ssyncadd.s32 $0xFFFFE000  }
0x5b: {  	p6 =	sne.s32 s21, $0x1;
	s31 =	simm.s32 @!p5 $0x0;
	_ =	swait.ge [sflag:s15], $0x2000  }
0x5c: {  	s9 =	sand.u32 @!p2 $0x1, s22;
	p0 =	por p2, p2;
	[sflag:s15] =	ssyncset.done $0x0  }
0x5d: {  	s20 =	smov.u32 s26;
	s26 =	sadd.s32 $0x1, s26;
	[sflag:s15] =	ssyncadd.s32 $0xFFFFE000  }
0x5e: {  	p3 =	seq.s32 s1, $0x1;
	p2 =	seq.s32 s26, $0x64;
	_ =	swait.ge [sflag:s16], $0x2000  }
0x5f: {  	s1 =	simm.s32 $0x1;
	s26 =	simm.s32 @p2 $0x0;
	[sflag:s16] =	ssyncset.done $0x0  }
0x60: {  	p5 =	por p3, p1;
	p2 =	sne.s32 s20, s26;
	[sflag:s16] =	ssyncadd.s32 $0xFFFFE000  }
0x61: {  	s1 =	simm.s32 @!p5 $0x0;
	p6 =	por !p6, !p2;
	_ =	swait.ge [sflag:s17], $0x2000  }
.Ltmp0:
0x62: {  	p3 =	por !p6, !p6;
	[sflag:s17] =	ssyncset.done $0x0;
	(pc) =	sbr.rel @p4 .LBB2_2-.Ltmp0, $4  }
0x63: {  	s25 =	sadd.s32 s1, s25;
	s5 =	sadd.s32 @p3 s7, s26;
	[sflag:s17] =	ssyncadd.s32 $0xFFFFE000  }
0x64: {  	s5 =	sshll.u32 @p3 s5, $0x9;
	s6 =	sshll.u32 @p3 s26, $0x9;
	_ =	strace $0x9000004B  }
0x65: {  	s6 =	sand.u32 @p3 $0x200, s6;
	s0 =	sadd.s32 @!p0 $0x7, s9;
	_ =	strace @p5 $0x8000004C  }
0x66: {  	s9 =	sand.u32 @p3 $0xFFFFFC00, s5;
	s5 =	sand.u32 @p3 $0x1, s24;
	s8 =	rddreg [dreg:$0x4]  }
0x67: {  	s10 =	sshll.u32 @p5 s12, $0xC  }
0x68: {  	s10 =	sand.u32 @p5 $0x1FFFF000, s10  }
0x69: {  	s12 =	sadd.s32 @p5 $0x7, s29;
	s8 =	sadd.s32 @p5 s8, s10;
	s10 =	simm.s32 @p5 $0x0  }
0x6a: {  	[hbm4b:s8+s10] =	stream.linear.scatter @p5 [tilespmem:s30], [sflag:s12], $0x8000, $0x200038;
	[tilespmem:$0x12400] =	vst v63  }
0x6b: {  	_ =	strace @p5 $0x9000004C  }
0x6c: {  	_ =	strace @!p0 $0x8000004D  }
0x6d: {  	s6 =	sor.u32 @p3 s6, s9;
	_ =	swait.ge @!p0 [sflag:s0], $0x8000  }
0x6e: {  	s6 =	sshrl.u32 @p3 s6, $0x3;
	[sflag:s0] =	ssyncset.done @!p0 $0x0  }
0x6f: {  	s6 =	sadd.s32 @p3 s4, s6;
	[sflag:s0] =	ssyncadd.s32 @!p0 $0xFFFF8000  }
0x70: {  	s8 =	simm.s32 @p3 $0x0;
	s0 =	sshll.u32 @p3 s5, $0x9;
	_ =	strace @!p0 $0x9000004D  }
0x71: {  	s5 =	sadd.s32 @p3 $0x5, s5;
	s0 =	sor.u32 @p3 $0x2000, s0;
	_ =	strace @p3 $0x80000049  }
0x72: {  	[tilespmem:s0], [sflag:s5] =	stream.linear.gather @p3 [hbm4b:s6+s8], $0x200, $0x200038;
	[tilespmem:$0x12400] =	vst v63  }
0x73: {  	s10 =	sand.u32 $0x1, s25;
	_ =	strace @p3 $0x90000049  }
0x74: {  	s0 =	sadd.s32 $0x5, s10;
	_ =	strace $0x8000004A  }
0x75: {  	_ =	swait.ge [sflag:s0], $0x200  }
0x76: {  	s1 =	sadd.s32 s1, s28;
	[sflag:s0] =	ssyncset.done $0x0  }
0x77: {  	s12 =	sshll.u32 s25, $0x9;
	[sflag:s0] =	ssyncadd.s32 $0xFFFFFE00;
	s0 =	sand.u32 $0x1, s1  }
0x78: {  	s23 =	sand.u32 $0x200, s12;
	_ =	strace $0x9000004A;
	s24 =	sshll.u32 s0, $0xF  }
0x79: {  	s25 =	sor.u32 $0x2000, s23;
	_ =	strace $0x8000004B;
	s6 =	sor.u32 $0x2400, s24  }
0x7a: {  	[tilespmem:s6], [sflag:$0x1] =	stream.indirect.gather [spmem:s2], $0x80, s25, s14, $0x2000b8;
	[tilespmem:$0x12400] =	vst v63  }
0x7b: {  	s28 =	sor.u32 $0x2080, s23;
	s26 =	sor.u32 $0x4400, s24  }
0x7c: {  	[tilespmem:s26], [sflag:$0x2] =	stream.indirect.gather [spmem:s2], $0x80, s28, s14, $0x2000b8;
	[tilespmem:$0x12400] =	vst v63  }
0x7d: {  	s30 =	sor.u32 $0x2100, s23;
	s29 =	sor.u32 $0x6400, s24  }
0x7e: {  	[tilespmem:s29], [sflag:$0x3] =	stream.indirect.gather [spmem:s2], $0x80, s30, s14, $0x2000b8;
	[tilespmem:$0x12400] =	vst v63  }
0x7f: {  	s1 =	sor.u32 $0x2180, s23;
	s5 =	sadd.s32 $0x8400, s24  }
0x80: {  	[tilespmem:s5], [sflag:$0x4] =	stream.indirect.gather [spmem:s2], $0x80, s1, s14, $0x2000b8;
	[tilespmem:$0x12400] =	vst v63  }
0x81: {  	_ =	swait.ge [sflag:s13], $0x2000  }
0x82: {  	[sflag:s13] =	ssyncset.done $0x0  }
0x83: {  	[sflag:s13] =	ssyncadd.s32 $0xFFFFE000  }
0x84: {  	_ =	swait.ge [sflag:s15], $0x2000  }
0x85: {  	[sflag:s15] =	ssyncset.done $0x0  }
0x86: {  	[sflag:s15] =	ssyncadd.s32 $0xFFFFE000  }
0x87: {  	_ =	swait.ge [sflag:s16], $0x2000  }
0x88: {  	[sflag:s16] =	ssyncset.done $0x0  }
0x89: {  	[sflag:s16] =	ssyncadd.s32 $0xFFFFE000  }
0x8a: {  	_ =	swait.ge [sflag:s17], $0x2000  }
0x8b: {  	[sflag:s17] =	ssyncset.done $0x0  }
0x8c: {  	p6 =	por p2, p2;
	p1 =	seq.s32 s21, $0x1;
	[sflag:s17] =	ssyncadd.s32 $0xFFFFE000  }
0x8d: {  	p0 =	por p1, p6;
	s1 =	sadd.s32 s7, s20;
	_ =	strace $0x9000004B  }
0x8e: {  	p1 =	seq.s32 s21, $0x64;
	s1 =	sshll.u32 @p0 s1, $0xC;
	_ =	strace @p0 $0x8000004C  }
0x8f: {  	s8 =	sadd.s32 s31, s22;
	s1 =	sand.u32 @p0 $0x1FFFF000, s1;
	s5 =	rddreg [dreg:$0x4]  }
0x90: {  	s0 =	sadd.s32 @p0 $0x7, s0;
	s1 =	sadd.s32 @p0 s5, s1;
	s5 =	simm.s32 @p0 $0x0  }
0x91: {  	[hbm4b:s1+s5] =	stream.linear.scatter @p0 [tilespmem:s6], [sflag:s0], $0x8000, $0x200038;
	[tilespmem:$0x12400] =	vst v63  }
0x92: {  	s0 =	sand.u32 @!p1 $0x1, s8;
	p1 =	por p1, p1;
	_ =	strace @p0 $0x9000004C  }
0x93: {  	s0 =	sadd.s32 @!p1 $0x7, s0;
	_ =	strace @!p1 $0x8000004D  }
0x94: {  	_ =	swait.ge @!p1 [sflag:s0], $0x8000  }
0x95: {  	[sflag:s0] =	ssyncset.done @!p1 $0x0  }
0x96: {  	[sflag:s0] =	ssyncadd.s32 @!p1 $0xFFFF8000  }
0x97: {  	_ =	strace @!p1 $0x9000004D  }
0x98: {  	_ =	strace $0x8000004E  }
0x99: {  	_ =	swait.ge [sflag:s18], $0x8000  }
0x9a: {  	s19 =	sadd.s32 $0x1, s19;
	s31 =	rddreg [dreg:$0x8]  }
0x9b: {  	p0 =	sne.s32 s19, s31  }
.Ltmp1:
0x9c: {  	_ = 	snop;
	(pc) =	sbr.rel @p0 .LBB2_1-.Ltmp1, $4  }
0x9d: {  	_ = 	snop  }
0x9e: {  	[sflag:s18] =	ssyncset.done $0x0  }
0x9f: {  	[sflag:s18] =	ssyncadd.s32 $0xFFFF8000  }
0xa0: {  	_ =	strace $0x9000004E  }
0xa1: {  	_ =	sfence.sel $0x180000  }
0xa2: {  	[bflag:$0x0] =	sbarrier.arrive $0xFFFF  }
0xa3: {  	_ =	strace $0x90000047  }
0xa4: {  	s0 =	stileid.u32;
	[bflag:$0x2] =	sbarrier.arrive $0xFFFF  }
0xa5: {  	p0 =	sne.s32 s0, $0x0;
	s0 =	rddreg [dreg:$0x3]  }
0xa6: {  	s0 =	sadd.s32 @!p0 $0x100000, s0  }
0xa7: {  	[sflag:s0] =	ssyncadd.tile.s32 @!p0 $0x1;
	_ =	shalt  }
.Lfunc_end2:
_tile_overlayer_lowered:
.L_overlay_start_2:
0xa8: {  	(tag) =	ssettag $0x2  }
0xa9: {  	s0 =	rddreg [dreg:$0x0];
	s2 =	stileid.u32  }
0xaa: {  	s1 =	rddreg [dreg:$0x1];
	p0 =	sne.s32 s2, $0x0  }
0xab: {  	s3 =	rddreg [dreg:$0x2];
	[bflag:$0x3] =	sbarrier.arrive $0xFFFF;
	s2 =	simm.s32 @!p0 $0x1C05  }
0xac: {  	[timem:s3], [sflag:s2] =	dma.local @!p0 [hbm:s0], s1  }
0xad: {  	s0 =	simm.s32 @!p0 $0x5  }
0xae: {  	_ =	swait.ge @!p0 [sflag:s0], s1  }
0xaf: {  	s1 =	ssub.s32 @!p0 $0x0, s1;
	[sflag:s0] =	ssyncset.done @!p0 $0x0  }
0xb0: {  	[sflag:s0] =	ssyncadd.s32 @!p0 s1  }
0xb1: {  	[bflag:$0x3] =	sbarrier.arrive $0xFFFF  }
0xb2: {  	_ =	shalt  }

</sc_bundles>
